<compile_context>
chip_gen: v7x
topology: tpu7x:2x2x1
jax: 0.10.2.dev20260603
libtpu: 0.0.44.dev20260713+nightly
codegen_flags: <defaults>
</compile_context>

<pallas_src>
import functools

import jax
import jax.numpy as jnp
from jax import lax
from jax.experimental import pallas as pl
from jax.experimental.pallas import tpu as pltpu
from jax.experimental.pallas import tpu_sc as plsc

_C = 19
_CPAD = 32
_JPAD = 24
_A = 128
_PIX_PER_WORKER = 512
_HIGH = lax.Precision.HIGH
_HIGHEST = lax.Precision.HIGHEST



_CHUNK = 4096
_NSTEPS = 16384 // _CHUNK


def _stats_body(scale_ref, lab_ref, f_ref, wsq_ref, t_ref, acc, cnt_acc):
    g = pl.program_id(0)
    f = f_ref[0]
    lab = lab_ref[0, 0, :]
    classes = lax.broadcasted_iota(jnp.int32, (_CPAD, _CHUNK), 0)
    oht = (lab[None, :] == classes).astype(jnp.float32)
    fcat = jnp.concatenate([f, f * f], axis=0)
    prod = lax.dot_general(fcat, oht, (((1,), (1,)), ((), ())))
    c = jnp.sum(oht, axis=1)
    rows = lax.broadcasted_iota(jnp.int32, (8, _CPAD), 0)
    cpad = jnp.where(rows == 0, c[None, :], 0.0)

    @pl.when(g == 0)
    def _():
        acc[...] = prod
        cnt_acc[...] = cpad

    @pl.when(g > 0)
    def _():
        acc[...] += prod
        cnt_acc[...] += cpad

    @pl.when(g == _NSTEPS - 1)
    def _():
        cnt = cnt_acc[0, :]
        inv = 1.0 / jnp.maximum(cnt, 1.0)
        s = acc[0:_A, :]
        sq = acc[_A:2 * _A, :]
        mean = s * inv[None, :]
        var = sq * inv[None, :] - mean * mean
        var = jnp.where(cnt[None, :] > 0.0, var, 0.0)
        wsq = wsq_ref[...]
        w = wsq[0:_JPAD, :]
        wt = jnp.transpose(wsq)[:, 0:_CPAD]
        m1 = lax.dot(w * w, var, precision=_HIGHEST)
        m2 = lax.dot(w, var * wt, precision=_HIGHEST)
        m3 = jnp.sum(wt * wt * var, axis=0)
        t_ref[...] = (m1 - 2.0 * m2 + m3[None, :]) * scale_ref[0]


def _run_stats(scale, labels4, features, wsq):
    return pl.pallas_call(
        _stats_body,
        grid=(_NSTEPS,),
        in_specs=[
            pl.BlockSpec(memory_space=pltpu.SMEM),
            pl.BlockSpec((1, 1, _CHUNK), lambda g: (g, 0, 0)),
            pl.BlockSpec((1, _A, _CHUNK), lambda g: (g, 0, 0)),
            pl.BlockSpec((_A, _A), lambda g: (0, 0)),
        ],
        out_specs=pl.BlockSpec((_JPAD, _CPAD), lambda g: (0, 0)),
        out_shape=jax.ShapeDtypeStruct((_JPAD, _CPAD), jnp.float32),
        scratch_shapes=[
            pltpu.VMEM((2 * _A, _CPAD), jnp.float32),
            pltpu.VMEM((8, _CPAD), jnp.float32),
        ],
        compiler_params=pltpu.CompilerParams(
            allow_input_fusion=[False, True, True, False],
        ),
    )(scale, labels4, features, wsq)



def _apply_body(y_hbm, lab_hbm, tab_hbm, out_hbm, tab_v, y_v, lab_v,
                sem1, sem2, sem3):
    cid = lax.axis_index("c")
    sid = lax.axis_index("s")
    w = sid * 2 + cid
    n = w // 8
    hrow = (w % 8) * 8
    c1 = pltpu.async_copy(tab_hbm, tab_v, sem1)
    c2 = pltpu.async_copy(lab_hbm.at[n, pl.ds(hrow, 8), :], lab_v, sem2)
    c3 = pltpu.async_copy(y_hbm.at[n, :, pl.ds(hrow, 8), :], y_v, sem3)
    c1.wait()
    c2.wait()
    c3.wait()

    @plsc.parallel_loop(0, _PIX_PER_WORKER // 16, unroll=4)
    def body(i):
        r = i // 4
        k = (i % 4) * 16
        lab16 = lab_v[r, pl.ds(k, 16)]
        for j in range(_C):
            row = jnp.full((16,), j, jnp.int32)
            g = plsc.load_gather(tab_v, [row, lab16])
            y_v[j, r, pl.ds(k, 16)] = y_v[j, r, pl.ds(k, 16)] + g
    pltpu.sync_copy(y_v, out_hbm.at[n, :, pl.ds(hrow, 8), :])


@functools.cache
def _get_apply():
    mesh = plsc.VectorSubcoreMesh(core_axis_name="c", subcore_axis_name="s")
    return functools.partial(
        pl.kernel,
        out_type=jax.ShapeDtypeStruct((4, _C, 64, 64), jnp.float32),
        mesh=mesh,
        scratch_types=[
            pltpu.VMEM((_JPAD, _CPAD), jnp.float32),
            pltpu.VMEM((_C, 8, 64), jnp.float32),
            pltpu.VMEM((8, 64), jnp.int32),
            pltpu.SemaphoreType.DMA,
            pltpu.SemaphoreType.DMA,
            pltpu.SemaphoreType.DMA,
        ],
        compiler_params=pltpu.CompilerParams(needs_layout_passes=False),
    )(_apply_body)



def kernel(features, final_conv_weight, y, target_x, ratio):
    N, A, H, Wd = features.shape
    P = H * Wd
    f3 = features.reshape(N, A, P)
    wsq = jnp.zeros((A, A), jnp.float32).at[:_C].set(final_conv_weight)
    scale = (0.5 * jnp.float32(ratio)).reshape(1)
    labels3 = target_x.reshape(N, 1, P).astype(jnp.int32)
    tab = _run_stats(scale, labels3, f3, wsq)
    return _get_apply()(y, target_x, tab)

# --- scband reference (transcript-rebuilt; emitter-appended) ---
"""Pipeline reference for scband-isdaloss-4767413698904 (READ-ONLY COPY).

The authoritative reference and input builder live on the scoring server;
editing this copy changes nothing except your own understanding.
"""

import jax, jax.numpy as jnp
import numpy as np

CLASS_NUM = 19
EST_C = 20


def _nearest_resize(t, H, W):
    Ht, Wt = t.shape[1], t.shape[2]
    ih = (jnp.arange(H) * Ht) // H
    iw = (jnp.arange(W) * Wt) // W
    return t[:, ih][:, :, iw]


def _update_cv(features, labels):
    # Faithful EstimatorCV.update_CV with zero-initialized state.
    # The dense NxCxA masked sums are computed via mathematically identical
    # scatter-adds (entries where onehot==0 contribute exactly 0).
    N, A = features.shape
    C = EST_C
    label_mask = (labels == 255).astype(jnp.int32)
    labels = ((1 - label_mask) * labels + label_mask * 19).astype(jnp.int32)
    onehot = jnp.zeros((N, C), dtype=features.dtype).at[jnp.arange(N), labels].set(1.0)
    amount_c = onehot.sum(0)
    Amount_CxA = jnp.broadcast_to(amount_c[:, None], (C, A))
    Amount_CxA = jnp.where(Amount_CxA == 0, jnp.ones_like(Amount_CxA), Amount_CxA)
    sum_f = jnp.zeros((C, A), dtype=features.dtype).at[labels].add(features)
    ave_CxA = sum_f / Amount_CxA
    diff = features - ave_CxA[labels]
    var_temp = jnp.zeros((C, A), dtype=features.dtype).at[labels].add(diff * diff) / Amount_CxA
    sum_weight_CV = jnp.broadcast_to(amount_c[:, None], (C, A))
    Amount_prev = jnp.zeros((C,), dtype=features.dtype)
    Ave_prev = jnp.zeros((C, A), dtype=features.dtype)
    Cov_prev = jnp.zeros((C, A), dtype=features.dtype)
    weight_CV = sum_weight_CV / (sum_weight_CV + Amount_prev[:, None])
    weight_CV = jnp.where(jnp.isnan(weight_CV), jnp.zeros_like(weight_CV), weight_CV)
    additional_CV = weight_CV * (1.0 - weight_CV) * (Ave_prev - ave_CxA) ** 2
    CoVariance = jax.lax.stop_gradient(Cov_prev * (1.0 - weight_CV) + var_temp * weight_CV) + jax.lax.stop_gradient(additional_CV)
    return CoVariance


def _isda_aug(weight_m, features, y, labels, cv_matrix, ratio):
    label_mask = (labels == 255).astype(jnp.int32)
    labels = ((1 - label_mask) * labels).astype(jnp.int32)
    N, A = features.shape
    C = CLASS_NUM
    NxW_kj = weight_m[labels]            # gather: W[labels] -> (N, A)
    CV_temp = cv_matrix[labels]          # gather: CV[labels] -> (N, A)
    sigma2 = ratio * (((weight_m[None, :, :] - NxW_kj[:, None, :]) ** 2) * CV_temp[:, None, :]).sum(2)
    aug = y + 0.5 * sigma2 * (1 - label_mask).astype(y.dtype)[:, None]
    return aug


def setup_inputs(seed: int = 0):
    key = jax.random.key(seed)
    k1, k2, k3, k4 = jax.random.split(key, 4)
    features = jax.random.normal(k1, (4, 128, 64, 64), dtype=jnp.float32)
    final_conv_weight = jax.random.normal(k2, (19, 128), dtype=jnp.float32)
    y = jax.random.normal(k3, (4, 19, 64, 64), dtype=jnp.float32)
    target_x = jax.random.randint(k4, (4, 64, 64), 0, 19, dtype=jnp.int32)
    return {"features": features, "final_conv_weight": final_conv_weight, "y": y, "target_x": target_x, "ratio": 1}


def reference(features, final_conv_weight, y, target_x, ratio):
    N, A, H, W = features.shape
    C = CLASS_NUM
    tgt = _nearest_resize(target_x, H, W)
    features_f = jnp.transpose(features, (0, 2, 3, 1)).reshape(N * H * W, A)
    target_f = tgt.reshape(N * H * W)
    y_f = jnp.transpose(y, (0, 2, 3, 1)).reshape(N * H * W, C)
    cov = _update_cv(jax.lax.stop_gradient(features_f), target_f)
    aug = _isda_aug(final_conv_weight, features_f, y_f, target_f, jax.lax.stop_gradient(cov), ratio)
    return jnp.transpose(aug.reshape(N, H, W, C), (0, 3, 1, 2))

if __name__ == "__main__":
    import jax
    _d = setup_inputs()
    print(jax.jit(kernel)(*tuple(_d.values())))

</pallas_src>

<mosaic_0001>
#map = affine_map<(d0, d1) -> (0, 0, 0, 0)>
#map1 = affine_map<(d0, d1) -> (0, 0, 0)>
#map2 = affine_map<(d0, d1) -> (0, 0)>
module attributes {stable_mosaic.version = 14 : i64} {
  func.func @_apply_body(%arg0: i32, %arg1: i32, %arg2: memref<4x19x64x64xf32, #tpu.memory_space<hbm>>, %arg3: memref<4x64x64xi32, #tpu.memory_space<hbm>>, %arg4: memref<24x32xf32, #tpu.memory_space<hbm>>, %arg5: memref<4x19x64x64xf32, #tpu.memory_space<hbm>>, %arg6: memref<24x32xf32, #tpu.memory_space<vmem>>, %arg7: memref<19x8x64xf32, #tpu.memory_space<vmem>>, %arg8: memref<8x64xi32, #tpu.memory_space<vmem>>, %arg9: memref<!tpu.dma_semaphore, #tpu.memory_space<semaphore_mem>>, %arg10: memref<!tpu.dma_semaphore, #tpu.memory_space<semaphore_mem>>, %arg11: memref<!tpu.dma_semaphore, #tpu.memory_space<semaphore_mem>>) attributes {dimension_semantics = [#tpu.dimension_semantics<core_parallel>, #tpu.dimension_semantics<subcore_parallel>], iteration_bounds = array<i64: 2, 16>, scalar_prefetch = 0 : i64, scratch_operands = 6 : i64, tpu.core_type = #tpu.core_type<sc_vector_subcore>, window_params = [{transform_indices = #map}, {transform_indices = #map1}, {transform_indices = #map2}, {transform_indices = #map}]} {
    %mul3A = arith.constant 2 : i32
    %mul3A_0 = arith.muli %arg1, %mul3A : i32
    %add3A = arith.addi %mul3A_0, %arg0 : i32
    %jit3A = arith.constant 8 : i32
    %div3A = arith.divsi %add3A, %jit3A : i32
    %sign3A = arith.constant 0 : i32
    %sign3A_1 = arith.cmpi sgt, %add3A, %sign3A : i32
    %sign3A_2 = arith.extui %sign3A_1 : i1 to i32
    %sign3A_3 = arith.constant 0 : i32
    %sign3A_4 = arith.cmpi slt, %add3A, %sign3A_3 : i32
    %sign3A_5 = arith.extui %sign3A_4 : i1 to i32
    %sign3A_6 = arith.subi %sign3A_2, %sign3A_5 : i32
    %sign3A_7 = arith.constant 0 : i32
    %sign3A_8 = arith.cmpi sgt, %jit3A, %sign3A_7 : i32
    %sign3A_9 = arith.extui %sign3A_8 : i1 to i32
    %sign3A_10 = arith.constant 0 : i32
    %sign3A_11 = arith.cmpi slt, %jit3A, %sign3A_10 : i32
    %sign3A_12 = arith.extui %sign3A_11 : i1 to i32
    %sign3A_13 = arith.subi %sign3A_9, %sign3A_12 : i32
    %ne3A = arith.cmpi ne, %sign3A_6, %sign3A_13 : i32
    %rem3A = arith.remsi %add3A, %jit3A : i32
    %ne3A_14 = arith.constant 0 : i32
    %ne3A_15 = arith.cmpi ne, %rem3A, %ne3A_14 : i32
    %and3A = arith.andi %ne3A, %ne3A_15 : i1
    %sub3A = arith.constant 1 : i32
    %sub3A_16 = arith.subi %div3A, %sub3A : i32
    %select_n3A = arith.select %and3A, %sub3A_16, %div3A : i32
    %jit3A_17 = arith.constant 8 : i32
    %eq3A = arith.constant 0 : i32
    %eq3A_18 = arith.cmpi eq, %jit3A_17, %eq3A : i32
    %jit3A_19 = arith.constant 1 : i32
    %select_n3A_20 = arith.select %eq3A_18, %jit3A_19, %jit3A_17 : i32
    %rem3A_21 = arith.remsi %add3A, %select_n3A_20 : i32
    %ne3A_22 = arith.constant 0 : i32
    %ne3A_23 = arith.cmpi ne, %rem3A_21, %ne3A_22 : i32
    %lt3A = arith.constant 0 : i32
    %lt3A_24 = arith.cmpi slt, %rem3A_21, %lt3A : i32
    %lt3A_25 = arith.constant 0 : i32
    %lt3A_26 = arith.cmpi slt, %select_n3A_20, %lt3A_25 : i32
    %ne3A_27 = arith.xori %lt3A_24, %lt3A_26 : i1
    %and3A_28 = arith.andi %ne3A_27, %ne3A_23 : i1
    %add3A_29 = arith.addi %rem3A_21, %select_n3A_20 : i32
    %select_n3A_30 = arith.select %and3A_28, %add3A_29, %rem3A_21 : i32
    %mul3A_31 = arith.constant 8 : i32
    %mul3A_32 = arith.muli %select_n3A_30, %mul3A_31 : i32
    tpu.enqueue_dma source(%arg4 : memref<24x32xf32, #tpu.memory_space<hbm>>) target(%arg6 : memref<24x32xf32, #tpu.memory_space<vmem>>) target_semaphore(%arg9 : memref<!tpu.dma_semaphore, #tpu.memory_space<semaphore_mem>>)
    %dma_start3A = arith.constant 0 : i32
    %dma_start3A_33 = tpu.memref_slice %arg3[%select_n3A, %mul3A_32, %dma_start3A] : memref<4x64x64xi32, #tpu.memory_space<hbm>> -> memref<1x8x64xi32, #tpu.memory_space<hbm>>
    %dma_start3A_34 = tpu.memref_squeeze %dma_start3A_33 : memref<1x8x64xi32, #tpu.memory_space<hbm>> -> memref<8x64xi32, #tpu.memory_space<hbm>>
    %dma_start3A_35 = arith.constant 0 : i32
    %dma_start3A_36 = tpu.memref_slice %arg3[%select_n3A, %mul3A_32, %dma_start3A_35] : memref<4x64x64xi32, #tpu.memory_space<hbm>> -> memref<1x8x64xi32, #tpu.memory_space<hbm>>
    %dma_start3A_37 = tpu.memref_squeeze %dma_start3A_36 : memref<1x8x64xi32, #tpu.memory_space<hbm>> -> memref<8x64xi32, #tpu.memory_space<hbm>>
    tpu.enqueue_dma source(%dma_start3A_37 : memref<8x64xi32, #tpu.memory_space<hbm>>) target(%arg8 : memref<8x64xi32, #tpu.memory_space<vmem>>) target_semaphore(%arg10 : memref<!tpu.dma_semaphore, #tpu.memory_space<semaphore_mem>>)
    %dma_start3A_38 = arith.constant 0 : i32
    %dma_start3A_39 = arith.constant 0 : i32
    %dma_start3A_40 = tpu.memref_slice %arg2[%select_n3A, %dma_start3A_38, %mul3A_32, %dma_start3A_39] : memref<4x19x64x64xf32, #tpu.memory_space<hbm>> -> memref<1x19x8x64xf32, #tpu.memory_space<hbm>>
    %dma_start3A_41 = tpu.memref_squeeze %dma_start3A_40 : memref<1x19x8x64xf32, #tpu.memory_space<hbm>> -> memref<19x8x64xf32, #tpu.memory_space<hbm>>
    %dma_start3A_42 = arith.constant 0 : i32
    %dma_start3A_43 = arith.constant 0 : i32
    %dma_start3A_44 = tpu.memref_slice %arg2[%select_n3A, %dma_start3A_42, %mul3A_32, %dma_start3A_43] : memref<4x19x64x64xf32, #tpu.memory_space<hbm>> -> memref<1x19x8x64xf32, #tpu.memory_space<hbm>>
    %dma_start3A_45 = tpu.memref_squeeze %dma_start3A_44 : memref<1x19x8x64xf32, #tpu.memory_space<hbm>> -> memref<19x8x64xf32, #tpu.memory_space<hbm>>
    tpu.enqueue_dma source(%dma_start3A_45 : memref<19x8x64xf32, #tpu.memory_space<hbm>>) target(%arg7 : memref<19x8x64xf32, #tpu.memory_space<vmem>>) target_semaphore(%arg11 : memref<!tpu.dma_semaphore, #tpu.memory_space<semaphore_mem>>)
    tpu.wait_dma2 semaphore(%arg9 : memref<!tpu.dma_semaphore, #tpu.memory_space<semaphore_mem>>) src(%arg4 : memref<24x32xf32, #tpu.memory_space<hbm>>) dst(%arg6 : memref<24x32xf32, #tpu.memory_space<vmem>>)
    %dma_wait3A = arith.constant 0 : i32
    %dma_wait3A_46 = tpu.memref_slice %arg3[%select_n3A, %mul3A_32, %dma_wait3A] : memref<4x64x64xi32, #tpu.memory_space<hbm>> -> memref<1x8x64xi32, #tpu.memory_space<hbm>>
    %dma_wait3A_47 = tpu.memref_squeeze %dma_wait3A_46 : memref<1x8x64xi32, #tpu.memory_space<hbm>> -> memref<8x64xi32, #tpu.memory_space<hbm>>
    %dma_wait3A_48 = arith.constant 0 : i32
    %dma_wait3A_49 = tpu.memref_slice %arg3[%select_n3A, %mul3A_32, %dma_wait3A_48] : memref<4x64x64xi32, #tpu.memory_space<hbm>> -> memref<1x8x64xi32, #tpu.memory_space<hbm>>
    %dma_wait3A_50 = tpu.memref_squeeze %dma_wait3A_49 : memref<1x8x64xi32, #tpu.memory_space<hbm>> -> memref<8x64xi32, #tpu.memory_space<hbm>>
    tpu.wait_dma2 semaphore(%arg10 : memref<!tpu.dma_semaphore, #tpu.memory_space<semaphore_mem>>) src(%dma_wait3A_50 : memref<8x64xi32, #tpu.memory_space<hbm>>) dst(%arg8 : memref<8x64xi32, #tpu.memory_space<vmem>>)
    %dma_wait3A_51 = arith.constant 0 : i32
    %dma_wait3A_52 = arith.constant 0 : i32
    %dma_wait3A_53 = tpu.memref_slice %arg2[%select_n3A, %dma_wait3A_51, %mul3A_32, %dma_wait3A_52] : memref<4x19x64x64xf32, #tpu.memory_space<hbm>> -> memref<1x19x8x64xf32, #tpu.memory_space<hbm>>
    %dma_wait3A_54 = tpu.memref_squeeze %dma_wait3A_53 : memref<1x19x8x64xf32, #tpu.memory_space<hbm>> -> memref<19x8x64xf32, #tpu.memory_space<hbm>>
    %dma_wait3A_55 = arith.constant 0 : i32
    %dma_wait3A_56 = arith.constant 0 : i32
    %dma_wait3A_57 = tpu.memref_slice %arg2[%select_n3A, %dma_wait3A_55, %mul3A_32, %dma_wait3A_56] : memref<4x19x64x64xf32, #tpu.memory_space<hbm>> -> memref<1x19x8x64xf32, #tpu.memory_space<hbm>>
    %dma_wait3A_58 = tpu.memref_squeeze %dma_wait3A_57 : memref<1x19x8x64xf32, #tpu.memory_space<hbm>> -> memref<19x8x64xf32, #tpu.memory_space<hbm>>
    tpu.wait_dma2 semaphore(%arg11 : memref<!tpu.dma_semaphore, #tpu.memory_space<semaphore_mem>>) src(%dma_wait3A_58 : memref<19x8x64xf32, #tpu.memory_space<hbm>>) dst(%arg7 : memref<19x8x64xf32, #tpu.memory_space<vmem>>)
    %parallel_loop3A = arith.constant 0 : i32
    %parallel_loop3A_59 = arith.constant 32 : i32
    %parallel_loop3A_60 = arith.constant 1 : i32
    scf.for %parallel_loop3A_61 = %parallel_loop3A to %parallel_loop3A_59 step %parallel_loop3A_60  : i32 {
      %parallel_loop3A_62 = arith.constant 4 : i32
      %parallel_loop3A_63 = arith.divsi %parallel_loop3A_61, %parallel_loop3A_62 : i32
      %parallel_loop3A_64 = arith.constant 0 : i32
      %parallel_loop3A_65 = arith.cmpi sgt, %parallel_loop3A_61, %parallel_loop3A_64 : i32
      %parallel_loop3A_66 = arith.extui %parallel_loop3A_65 : i1 to i32
      %parallel_loop3A_67 = arith.constant 0 : i32
      %parallel_loop3A_68 = arith.cmpi slt, %parallel_loop3A_61, %parallel_loop3A_67 : i32
      %parallel_loop3A_69 = arith.extui %parallel_loop3A_68 : i1 to i32
      %parallel_loop3A_70 = arith.subi %parallel_loop3A_66, %parallel_loop3A_69 : i32
      %parallel_loop3A_71 = arith.constant 0 : i32
      %parallel_loop3A_72 = arith.cmpi sgt, %parallel_loop3A_62, %parallel_loop3A_71 : i32
      %parallel_loop3A_73 = arith.extui %parallel_loop3A_72 : i1 to i32
      %parallel_loop3A_74 = arith.constant 0 : i32
      %parallel_loop3A_75 = arith.cmpi slt, %parallel_loop3A_62, %parallel_loop3A_74 : i32
      %parallel_loop3A_76 = arith.extui %parallel_loop3A_75 : i1 to i32
      %parallel_loop3A_77 = arith.subi %parallel_loop3A_73, %parallel_loop3A_76 : i32
      %parallel_loop3A_78 = arith.cmpi ne, %parallel_loop3A_70, %parallel_loop3A_77 : i32
      %parallel_loop3A_79 = arith.remsi %parallel_loop3A_61, %parallel_loop3A_62 : i32
      %parallel_loop3A_80 = arith.constant 0 : i32
      %parallel_loop3A_81 = arith.cmpi ne, %parallel_loop3A_79, %parallel_loop3A_80 : i32
      %parallel_loop3A_82 = arith.andi %parallel_loop3A_78, %parallel_loop3A_81 : i1
      %parallel_loop3A_83 = arith.constant 1 : i32
      %parallel_loop3A_84 = arith.subi %parallel_loop3A_63, %parallel_loop3A_83 : i32
      %parallel_loop3A_85 = arith.select %parallel_loop3A_82, %parallel_loop3A_84, %parallel_loop3A_63 : i32
      %parallel_loop3A_86 = arith.constant 4 : i32
      %parallel_loop3A_87 = arith.constant 0 : i32
      %parallel_loop3A_88 = arith.cmpi eq, %parallel_loop3A_86, %parallel_loop3A_87 : i32
      %parallel_loop3A_89 = arith.constant 1 : i32
      %parallel_loop3A_90 = arith.select %parallel_loop3A_88, %parallel_loop3A_89, %parallel_loop3A_86 : i32
      %parallel_loop3A_91 = arith.remsi %parallel_loop3A_61, %parallel_loop3A_90 : i32
      %parallel_loop3A_92 = arith.constant 0 : i32
      %parallel_loop3A_93 = arith.cmpi ne, %parallel_loop3A_91, %parallel_loop3A_92 : i32
      %parallel_loop3A_94 = arith.constant 0 : i32
      %parallel_loop3A_95 = arith.cmpi slt, %parallel_loop3A_91, %parallel_loop3A_94 : i32
      %parallel_loop3A_96 = arith.constant 0 : i32
      %parallel_loop3A_97 = arith.cmpi slt, %parallel_loop3A_90, %parallel_loop3A_96 : i32
      %parallel_loop3A_98 = arith.xori %parallel_loop3A_95, %parallel_loop3A_97 : i1
      %parallel_loop3A_99 = arith.andi %parallel_loop3A_98, %parallel_loop3A_93 : i1
      %parallel_loop3A_100 = arith.addi %parallel_loop3A_91, %parallel_loop3A_90 : i32
      %parallel_loop3A_101 = arith.select %parallel_loop3A_99, %parallel_loop3A_100, %parallel_loop3A_91 : i32
      %parallel_loop3A_102 = arith.constant 16 : i32
      %parallel_loop3A_103 = arith.muli %parallel_loop3A_101, %parallel_loop3A_102 : i32
      %parallel_loop3A_104 = arith.index_cast %parallel_loop3A_85 : i32 to index
      %parallel_loop3A_105 = arith.index_cast %parallel_loop3A_103 : i32 to index
      %parallel_loop3A_106 = tpu.vector_load %arg8[%parallel_loop3A_104, %parallel_loop3A_105] {strides = array<i32>} : memref<8x64xi32, #tpu.memory_space<vmem>>, vector<16xi32>,
      %parallel_loop3A_107 = arith.constant 0 : i32
      %parallel_loop3A_108 = vector.broadcast %parallel_loop3A_107 : i32 to vector<16xi32>
      %parallel_loop3A_109 = tpu.vector_load_idx %arg6[%parallel_loop3A_108, %parallel_loop3A_106] : memref<24x32xf32, #tpu.memory_space<vmem>>[vector<16xi32>, vector<16xi32>], vector<16xf32>,
      %parallel_loop3A_110 = arith.constant 0 : i32
      %parallel_loop3A_111 = arith.index_cast %parallel_loop3A_110 : i32 to index
      %parallel_loop3A_112 = arith.index_cast %parallel_loop3A_85 : i32 to index
      %parallel_loop3A_113 = arith.index_cast %parallel_loop3A_103 : i32 to index
      %parallel_loop3A_114 = tpu.vector_load %arg7[%parallel_loop3A_111, %parallel_loop3A_112, %parallel_loop3A_113] {strides = array<i32>} : memref<19x8x64xf32, #tpu.memory_space<vmem>>, vector<16xf32>,
      %parallel_loop3A_115 = arith.addf %parallel_loop3A_114, %parallel_loop3A_109 : vector<16xf32>
      %parallel_loop3A_116 = arith.constant 0 : i32
      %parallel_loop3A_117 = arith.index_cast %parallel_loop3A_116 : i32 to index
      %parallel_loop3A_118 = arith.index_cast %parallel_loop3A_85 : i32 to index
      %parallel_loop3A_119 = arith.index_cast %parallel_loop3A_103 : i32 to index
      %parallel_loop3A_120 = tpu.vector_load %arg7[%parallel_loop3A_117, %parallel_loop3A_118, %parallel_loop3A_119] {strides = array<i32>} : memref<19x8x64xf32, #tpu.memory_space<vmem>>, vector<16xf32>,
      tpu.vector_store %arg7[%parallel_loop3A_117, %parallel_loop3A_118, %parallel_loop3A_119], %parallel_loop3A_115 {strides = array<i32>} : memref<19x8x64xf32, #tpu.memory_space<vmem>>, vector<16xf32>,
      %parallel_loop3A_121 = arith.constant 1 : i32
      %parallel_loop3A_122 = vector.broadcast %parallel_loop3A_121 : i32 to vector<16xi32>
      %parallel_loop3A_123 = tpu.vector_load_idx %arg6[%parallel_loop3A_122, %parallel_loop3A_106] : memref<24x32xf32, #tpu.memory_space<vmem>>[vector<16xi32>, vector<16xi32>], vector<16xf32>,
      %parallel_loop3A_124 = arith.constant 1 : i32
      %parallel_loop3A_125 = arith.index_cast %parallel_loop3A_124 : i32 to index
      %parallel_loop3A_126 = arith.index_cast %parallel_loop3A_85 : i32 to index
      %parallel_loop3A_127 = arith.index_cast %parallel_loop3A_103 : i32 to index
      %parallel_loop3A_128 = tpu.vector_load %arg7[%parallel_loop3A_125, %parallel_loop3A_126, %parallel_loop3A_127] {strides = array<i32>} : memref<19x8x64xf32, #tpu.memory_space<vmem>>, vector<16xf32>,
      %parallel_loop3A_129 = arith.addf %parallel_loop3A_128, %parallel_loop3A_123 : vector<16xf32>
      %parallel_loop3A_130 = arith.constant 1 : i32
      %parallel_loop3A_131 = arith.index_cast %parallel_loop3A_130 : i32 to index
      %parallel_loop3A_132 = arith.index_cast %parallel_loop3A_85 : i32 to index
      %parallel_loop3A_133 = arith.index_cast %parallel_loop3A_103 : i32 to index
      %parallel_loop3A_134 = tpu.vector_load %arg7[%parallel_loop3A_131, %parallel_loop3A_132, %parallel_loop3A_133] {strides = array<i32>} : memref<19x8x64xf32, #tpu.memory_space<vmem>>, vector<16xf32>,
      tpu.vector_store %arg7[%parallel_loop3A_131, %parallel_loop3A_132, %parallel_loop3A_133], %parallel_loop3A_129 {strides = array<i32>} : memref<19x8x64xf32, #tpu.memory_space<vmem>>, vector<16xf32>,
      %parallel_loop3A_135 = arith.constant 2 : i32
      %parallel_loop3A_136 = vector.broadcast %parallel_loop3A_135 : i32 to vector<16xi32>
      %parallel_loop3A_137 = tpu.vector_load_idx %arg6[%parallel_loop3A_136, %parallel_loop3A_106] : memref<24x32xf32, #tpu.memory_space<vmem>>[vector<16xi32>, vector<16xi32>], vector<16xf32>,
      %parallel_loop3A_138 = arith.constant 2 : i32
      %parallel_loop3A_139 = arith.index_cast %parallel_loop3A_138 : i32 to index
      %parallel_loop3A_140 = arith.index_cast %parallel_loop3A_85 : i32 to index
      %parallel_loop3A_141 = arith.index_cast %parallel_loop3A_103 : i32 to index
      %parallel_loop3A_142 = tpu.vector_load %arg7[%parallel_loop3A_139, %parallel_loop3A_140, %parallel_loop3A_141] {strides = array<i32>} : memref<19x8x64xf32, #tpu.memory_space<vmem>>, vector<16xf32>,
      %parallel_loop3A_143 = arith.addf %parallel_loop3A_142, %parallel_loop3A_137 : vector<16xf32>
      %parallel_loop3A_144 = arith.constant 2 : i32
      %parallel_loop3A_145 = arith.index_cast %parallel_loop3A_144 : i32 to index
      %parallel_loop3A_146 = arith.index_cast %parallel_loop3A_85 : i32 to index
      %parallel_loop3A_147 = arith.index_cast %parallel_loop3A_103 : i32 to index
      %parallel_loop3A_148 = tpu.vector_load %arg7[%parallel_loop3A_145, %parallel_loop3A_146, %parallel_loop3A_147] {strides = array<i32>} : memref<19x8x64xf32, #tpu.memory_space<vmem>>, vector<16xf32>,
      tpu.vector_store %arg7[%parallel_loop3A_145, %parallel_loop3A_146, %parallel_loop3A_147], %parallel_loop3A_143 {strides = array<i32>} : memref<19x8x64xf32, #tpu.memory_space<vmem>>, vector<16xf32>,
      %parallel_loop3A_149 = arith.constant 3 : i32
      %parallel_loop3A_150 = vector.broadcast %parallel_loop3A_149 : i32 to vector<16xi32>
      %parallel_loop3A_151 = tpu.vector_load_idx %arg6[%parallel_loop3A_150, %parallel_loop3A_106] : memref<24x32xf32, #tpu.memory_space<vmem>>[vector<16xi32>, vector<16xi32>], vector<16xf32>,
      %parallel_loop3A_152 = arith.constant 3 : i32
      %parallel_loop3A_153 = arith.index_cast %parallel_loop3A_152 : i32 to index
      %parallel_loop3A_154 = arith.index_cast %parallel_loop3A_85 : i32 to index
      %parallel_loop3A_155 = arith.index_cast %parallel_loop3A_103 : i32 to index
      %parallel_loop3A_156 = tpu.vector_load %arg7[%parallel_loop3A_153, %parallel_loop3A_154, %parallel_loop3A_155] {strides = array<i32>} : memref<19x8x64xf32, #tpu.memory_space<vmem>>, vector<16xf32>,
      %parallel_loop3A_157 = arith.addf %parallel_loop3A_156, %parallel_loop3A_151 : vector<16xf32>
      %parallel_loop3A_158 = arith.constant 3 : i32
      %parallel_loop3A_159 = arith.index_cast %parallel_loop3A_158 : i32 to index
      %parallel_loop3A_160 = arith.index_cast %parallel_loop3A_85 : i32 to index
      %parallel_loop3A_161 = arith.index_cast %parallel_loop3A_103 : i32 to index
      %parallel_loop3A_162 = tpu.vector_load %arg7[%parallel_loop3A_159, %parallel_loop3A_160, %parallel_loop3A_161] {strides = array<i32>} : memref<19x8x64xf32, #tpu.memory_space<vmem>>, vector<16xf32>,
      tpu.vector_store %arg7[%parallel_loop3A_159, %parallel_loop3A_160, %parallel_loop3A_161], %parallel_loop3A_157 {strides = array<i32>} : memref<19x8x64xf32, #tpu.memory_space<vmem>>, vector<16xf32>,
      %parallel_loop3A_163 = arith.constant 4 : i32
      %parallel_loop3A_164 = vector.broadcast %parallel_loop3A_163 : i32 to vector<16xi32>
      %parallel_loop3A_165 = tpu.vector_load_idx %arg6[%parallel_loop3A_164, %parallel_loop3A_106] : memref<24x32xf32, #tpu.memory_space<vmem>>[vector<16xi32>, vector<16xi32>], vector<16xf32>,
      %parallel_loop3A_166 = arith.constant 4 : i32
      %parallel_loop3A_167 = arith.index_cast %parallel_loop3A_166 : i32 to index
      %parallel_loop3A_168 = arith.index_cast %parallel_loop3A_85 : i32 to index
      %parallel_loop3A_169 = arith.index_cast %parallel_loop3A_103 : i32 to index
      %parallel_loop3A_170 = tpu.vector_load %arg7[%parallel_loop3A_167, %parallel_loop3A_168, %parallel_loop3A_169] {strides = array<i32>} : memref<19x8x64xf32, #tpu.memory_space<vmem>>, vector<16xf32>,
      %parallel_loop3A_171 = arith.addf %parallel_loop3A_170, %parallel_loop3A_165 : vector<16xf32>
      %parallel_loop3A_172 = arith.constant 4 : i32
      %parallel_loop3A_173 = arith.index_cast %parallel_loop3A_172 : i32 to index
      %parallel_loop3A_174 = arith.index_cast %parallel_loop3A_85 : i32 to index
      %parallel_loop3A_175 = arith.index_cast %parallel_loop3A_103 : i32 to index
      %parallel_loop3A_176 = tpu.vector_load %arg7[%parallel_loop3A_173, %parallel_loop3A_174, %parallel_loop3A_175] {strides = array<i32>} : memref<19x8x64xf32, #tpu.memory_space<vmem>>, vector<16xf32>,
      tpu.vector_store %arg7[%parallel_loop3A_173, %parallel_loop3A_174, %parallel_loop3A_175], %parallel_loop3A_171 {strides = array<i32>} : memref<19x8x64xf32, #tpu.memory_space<vmem>>, vector<16xf32>,
      %parallel_loop3A_177 = arith.constant 5 : i32
      %parallel_loop3A_178 = vector.broadcast %parallel_loop3A_177 : i32 to vector<16xi32>
      %parallel_loop3A_179 = tpu.vector_load_idx %arg6[%parallel_loop3A_178, %parallel_loop3A_106] : memref<24x32xf32, #tpu.memory_space<vmem>>[vector<16xi32>, vector<16xi32>], vector<16xf32>,
      %parallel_loop3A_180 = arith.constant 5 : i32
      %parallel_loop3A_181 = arith.index_cast %parallel_loop3A_180 : i32 to index
      %parallel_loop3A_182 = arith.index_cast %parallel_loop3A_85 : i32 to index
      %parallel_loop3A_183 = arith.index_cast %parallel_loop3A_103 : i32 to index
      %parallel_loop3A_184 = tpu.vector_load %arg7[%parallel_loop3A_181, %parallel_loop3A_182, %parallel_loop3A_183] {strides = array<i32>} : memref<19x8x64xf32, #tpu.memory_space<vmem>>, vector<16xf32>,
      %parallel_loop3A_185 = arith.addf %parallel_loop3A_184, %parallel_loop3A_179 : vector<16xf32>
      %parallel_loop3A_186 = arith.constant 5 : i32
      %parallel_loop3A_187 = arith.index_cast %parallel_loop3A_186 : i32 to index
      %parallel_loop3A_188 = arith.index_cast %parallel_loop3A_85 : i32 to index
      %parallel_loop3A_189 = arith.index_cast %parallel_loop3A_103 : i32 to index
      %parallel_loop3A_190 = tpu.vector_load %arg7[%parallel_loop3A_187, %parallel_loop3A_188, %parallel_loop3A_189] {strides = array<i32>} : memref<19x8x64xf32, #tpu.memory_space<vmem>>, vector<16xf32>,
      tpu.vector_store %arg7[%parallel_loop3A_187, %parallel_loop3A_188, %parallel_loop3A_189], %parallel_loop3A_185 {strides = array<i32>} : memref<19x8x64xf32, #tpu.memory_space<vmem>>, vector<16xf32>,
      %parallel_loop3A_191 = arith.constant 6 : i32
      %parallel_loop3A_192 = vector.broadcast %parallel_loop3A_191 : i32 to vector<16xi32>
      %parallel_loop3A_193 = tpu.vector_load_idx %arg6[%parallel_loop3A_192, %parallel_loop3A_106] : memref<24x32xf32, #tpu.memory_space<vmem>>[vector<16xi32>, vector<16xi32>], vector<16xf32>,
      %parallel_loop3A_194 = arith.constant 6 : i32
      %parallel_loop3A_195 = arith.index_cast %parallel_loop3A_194 : i32 to index
      %parallel_loop3A_196 = arith.index_cast %parallel_loop3A_85 : i32 to index
      %parallel_loop3A_197 = arith.index_cast %parallel_loop3A_103 : i32 to index
      %parallel_loop3A_198 = tpu.vector_load %arg7[%parallel_loop3A_195, %parallel_loop3A_196, %parallel_loop3A_197] {strides = array<i32>} : memref<19x8x64xf32, #tpu.memory_space<vmem>>, vector<16xf32>,
      %parallel_loop3A_199 = arith.addf %parallel_loop3A_198, %parallel_loop3A_193 : vector<16xf32>
      %parallel_loop3A_200 = arith.constant 6 : i32
      %parallel_loop3A_201 = arith.index_cast %parallel_loop3A_200 : i32 to index
      %parallel_loop3A_202 = arith.index_cast %parallel_loop3A_85 : i32 to index
      %parallel_loop3A_203 = arith.index_cast %parallel_loop3A_103 : i32 to index
      %parallel_loop3A_204 = tpu.vector_load %arg7[%parallel_loop3A_201, %parallel_loop3A_202, %parallel_loop3A_203] {strides = array<i32>} : memref<19x8x64xf32, #tpu.memory_space<vmem>>, vector<16xf32>,
      tpu.vector_store %arg7[%parallel_loop3A_201, %parallel_loop3A_202, %parallel_loop3A_203], %parallel_loop3A_199 {strides = array<i32>} : memref<19x8x64xf32, #tpu.memory_space<vmem>>, vector<16xf32>,
      %parallel_loop3A_205 = arith.constant 7 : i32
      %parallel_loop3A_206 = vector.broadcast %parallel_loop3A_205 : i32 to vector<16xi32>
      %parallel_loop3A_207 = tpu.vector_load_idx %arg6[%parallel_loop3A_206, %parallel_loop3A_106] : memref<24x32xf32, #tpu.memory_space<vmem>>[vector<16xi32>, vector<16xi32>], vector<16xf32>,
      %parallel_loop3A_208 = arith.constant 7 : i32
      %parallel_loop3A_209 = arith.index_cast %parallel_loop3A_208 : i32 to index
      %parallel_loop3A_210 = arith.index_cast %parallel_loop3A_85 : i32 to index
      %parallel_loop3A_211 = arith.index_cast %parallel_loop3A_103 : i32 to index
      %parallel_loop3A_212 = tpu.vector_load %arg7[%parallel_loop3A_209, %parallel_loop3A_210, %parallel_loop3A_211] {strides = array<i32>} : memref<19x8x64xf32, #tpu.memory_space<vmem>>, vector<16xf32>,
      %parallel_loop3A_213 = arith.addf %parallel_loop3A_212, %parallel_loop3A_207 : vector<16xf32>
      %parallel_loop3A_214 = arith.constant 7 : i32
      %parallel_loop3A_215 = arith.index_cast %parallel_loop3A_214 : i32 to index
      %parallel_loop3A_216 = arith.index_cast %parallel_loop3A_85 : i32 to index
      %parallel_loop3A_217 = arith.index_cast %parallel_loop3A_103 : i32 to index
      %parallel_loop3A_218 = tpu.vector_load %arg7[%parallel_loop3A_215, %parallel_loop3A_216, %parallel_loop3A_217] {strides = array<i32>} : memref<19x8x64xf32, #tpu.memory_space<vmem>>, vector<16xf32>,
      tpu.vector_store %arg7[%parallel_loop3A_215, %parallel_loop3A_216, %parallel_loop3A_217], %parallel_loop3A_213 {strides = array<i32>} : memref<19x8x64xf32, #tpu.memory_space<vmem>>, vector<16xf32>,
      %parallel_loop3A_219 = arith.constant 8 : i32
      %parallel_loop3A_220 = vector.broadcast %parallel_loop3A_219 : i32 to vector<16xi32>
      %parallel_loop3A_221 = tpu.vector_load_idx %arg6[%parallel_loop3A_220, %parallel_loop3A_106] : memref<24x32xf32, #tpu.memory_space<vmem>>[vector<16xi32>, vector<16xi32>], vector<16xf32>,
      %parallel_loop3A_222 = arith.constant 8 : i32
      %parallel_loop3A_223 = arith.index_cast %parallel_loop3A_222 : i32 to index
      %parallel_loop3A_224 = arith.index_cast %parallel_loop3A_85 : i32 to index
      %parallel_loop3A_225 = arith.index_cast %parallel_loop3A_103 : i32 to index
      %parallel_loop3A_226 = tpu.vector_load %arg7[%parallel_loop3A_223, %parallel_loop3A_224, %parallel_loop3A_225] {strides = array<i32>} : memref<19x8x64xf32, #tpu.memory_space<vmem>>, vector<16xf32>,
      %parallel_loop3A_227 = arith.addf %parallel_loop3A_226, %parallel_loop3A_221 : vector<16xf32>
      %parallel_loop3A_228 = arith.constant 8 : i32
      %parallel_loop3A_229 = arith.index_cast %parallel_loop3A_228 : i32 to index
      %parallel_loop3A_230 = arith.index_cast %parallel_loop3A_85 : i32 to index
      %parallel_loop3A_231 = arith.index_cast %parallel_loop3A_103 : i32 to index
      %parallel_loop3A_232 = tpu.vector_load %arg7[%parallel_loop3A_229, %parallel_loop3A_230, %parallel_loop3A_231] {strides = array<i32>} : memref<19x8x64xf32, #tpu.memory_space<vmem>>, vector<16xf32>,
      tpu.vector_store %arg7[%parallel_loop3A_229, %parallel_loop3A_230, %parallel_loop3A_231], %parallel_loop3A_227 {strides = array<i32>} : memref<19x8x64xf32, #tpu.memory_space<vmem>>, vector<16xf32>,
      %parallel_loop3A_233 = arith.constant 9 : i32
      %parallel_loop3A_234 = vector.broadcast %parallel_loop3A_233 : i32 to vector<16xi32>
      %parallel_loop3A_235 = tpu.vector_load_idx %arg6[%parallel_loop3A_234, %parallel_loop3A_106] : memref<24x32xf32, #tpu.memory_space<vmem>>[vector<16xi32>, vector<16xi32>], vector<16xf32>,
      %parallel_loop3A_236 = arith.constant 9 : i32
      %parallel_loop3A_237 = arith.index_cast %parallel_loop3A_236 : i32 to index
      %parallel_loop3A_238 = arith.index_cast %parallel_loop3A_85 : i32 to index
      %parallel_loop3A_239 = arith.index_cast %parallel_loop3A_103 : i32 to index
      %parallel_loop3A_240 = tpu.vector_load %arg7[%parallel_loop3A_237, %parallel_loop3A_238, %parallel_loop3A_239] {strides = array<i32>} : memref<19x8x64xf32, #tpu.memory_space<vmem>>, vector<16xf32>,
      %parallel_loop3A_241 = arith.addf %parallel_loop3A_240, %parallel_loop3A_235 : vector<16xf32>
      %parallel_loop3A_242 = arith.constant 9 : i32
      %parallel_loop3A_243 = arith.index_cast %parallel_loop3A_242 : i32 to index
      %parallel_loop3A_244 = arith.index_cast %parallel_loop3A_85 : i32 to index
      %parallel_loop3A_245 = arith.index_cast %parallel_loop3A_103 : i32 to index
      %parallel_loop3A_246 = tpu.vector_load %arg7[%parallel_loop3A_243, %parallel_loop3A_244, %parallel_loop3A_245] {strides = array<i32>} : memref<19x8x64xf32, #tpu.memory_space<vmem>>, vector<16xf32>,
      tpu.vector_store %arg7[%parallel_loop3A_243, %parallel_loop3A_244, %parallel_loop3A_245], %parallel_loop3A_241 {strides = array<i32>} : memref<19x8x64xf32, #tpu.memory_space<vmem>>, vector<16xf32>,
      %parallel_loop3A_247 = arith.constant 10 : i32
      %parallel_loop3A_248 = vector.broadcast %parallel_loop3A_247 : i32 to vector<16xi32>
      %parallel_loop3A_249 = tpu.vector_load_idx %arg6[%parallel_loop3A_248, %parallel_loop3A_106] : memref<24x32xf32, #tpu.memory_space<vmem>>[vector<16xi32>, vector<16xi32>], vector<16xf32>,
      %parallel_loop3A_250 = arith.constant 10 : i32
      %parallel_loop3A_251 = arith.index_cast %parallel_loop3A_250 : i32 to index
      %parallel_loop3A_252 = arith.index_cast %parallel_loop3A_85 : i32 to index
      %parallel_loop3A_253 = arith.index_cast %parallel_loop3A_103 : i32 to index
      %parallel_loop3A_254 = tpu.vector_load %arg7[%parallel_loop3A_251, %parallel_loop3A_252, %parallel_loop3A_253] {strides = array<i32>} : memref<19x8x64xf32, #tpu.memory_space<vmem>>, vector<16xf32>,
      %parallel_loop3A_255 = arith.addf %parallel_loop3A_254, %parallel_loop3A_249 : vector<16xf32>
      %parallel_loop3A_256 = arith.constant 10 : i32
      %parallel_loop3A_257 = arith.index_cast %parallel_loop3A_256 : i32 to index
      %parallel_loop3A_258 = arith.index_cast %parallel_loop3A_85 : i32 to index
      %parallel_loop3A_259 = arith.index_cast %parallel_loop3A_103 : i32 to index
      %parallel_loop3A_260 = tpu.vector_load %arg7[%parallel_loop3A_257, %parallel_loop3A_258, %parallel_loop3A_259] {strides = array<i32>} : memref<19x8x64xf32, #tpu.memory_space<vmem>>, vector<16xf32>,
      tpu.vector_store %arg7[%parallel_loop3A_257, %parallel_loop3A_258, %parallel_loop3A_259], %parallel_loop3A_255 {strides = array<i32>} : memref<19x8x64xf32, #tpu.memory_space<vmem>>, vector<16xf32>,
      %parallel_loop3A_261 = arith.constant 11 : i32
      %parallel_loop3A_262 = vector.broadcast %parallel_loop3A_261 : i32 to vector<16xi32>
      %parallel_loop3A_263 = tpu.vector_load_idx %arg6[%parallel_loop3A_262, %parallel_loop3A_106] : memref<24x32xf32, #tpu.memory_space<vmem>>[vector<16xi32>, vector<16xi32>], vector<16xf32>,
      %parallel_loop3A_264 = arith.constant 11 : i32
      %parallel_loop3A_265 = arith.index_cast %parallel_loop3A_264 : i32 to index
      %parallel_loop3A_266 = arith.index_cast %parallel_loop3A_85 : i32 to index
      %parallel_loop3A_267 = arith.index_cast %parallel_loop3A_103 : i32 to index
      %parallel_loop3A_268 = tpu.vector_load %arg7[%parallel_loop3A_265, %parallel_loop3A_266, %parallel_loop3A_267] {strides = array<i32>} : memref<19x8x64xf32, #tpu.memory_space<vmem>>, vector<16xf32>,
      %parallel_loop3A_269 = arith.addf %parallel_loop3A_268, %parallel_loop3A_263 : vector<16xf32>
      %parallel_loop3A_270 = arith.constant 11 : i32
      %parallel_loop3A_271 = arith.index_cast %parallel_loop3A_270 : i32 to index
      %parallel_loop3A_272 = arith.index_cast %parallel_loop3A_85 : i32 to index
      %parallel_loop3A_273 = arith.index_cast %parallel_loop3A_103 : i32 to index
      %parallel_loop3A_274 = tpu.vector_load %arg7[%parallel_loop3A_271, %parallel_loop3A_272, %parallel_loop3A_273] {strides = array<i32>} : memref<19x8x64xf32, #tpu.memory_space<vmem>>, vector<16xf32>,
      tpu.vector_store %arg7[%parallel_loop3A_271, %parallel_loop3A_272, %parallel_loop3A_273], %parallel_loop3A_269 {strides = array<i32>} : memref<19x8x64xf32, #tpu.memory_space<vmem>>, vector<16xf32>,
      %parallel_loop3A_275 = arith.constant 12 : i32
      %parallel_loop3A_276 = vector.broadcast %parallel_loop3A_275 : i32 to vector<16xi32>
      %parallel_loop3A_277 = tpu.vector_load_idx %arg6[%parallel_loop3A_276, %parallel_loop3A_106] : memref<24x32xf32, #tpu.memory_space<vmem>>[vector<16xi32>, vector<16xi32>], vector<16xf32>,
      %parallel_loop3A_278 = arith.constant 12 : i32
      %parallel_loop3A_279 = arith.index_cast %parallel_loop3A_278 : i32 to index
      %parallel_loop3A_280 = arith.index_cast %parallel_loop3A_85 : i32 to index
      %parallel_loop3A_281 = arith.index_cast %parallel_loop3A_103 : i32 to index
      %parallel_loop3A_282 = tpu.vector_load %arg7[%parallel_loop3A_279, %parallel_loop3A_280, %parallel_loop3A_281] {strides = array<i32>} : memref<19x8x64xf32, #tpu.memory_space<vmem>>, vector<16xf32>,
      %parallel_loop3A_283 = arith.addf %parallel_loop3A_282, %parallel_loop3A_277 : vector<16xf32>
      %parallel_loop3A_284 = arith.constant 12 : i32
      %parallel_loop3A_285 = arith.index_cast %parallel_loop3A_284 : i32 to index
      %parallel_loop3A_286 = arith.index_cast %parallel_loop3A_85 : i32 to index
      %parallel_loop3A_287 = arith.index_cast %parallel_loop3A_103 : i32 to index
      %parallel_loop3A_288 = tpu.vector_load %arg7[%parallel_loop3A_285, %parallel_loop3A_286, %parallel_loop3A_287] {strides = array<i32>} : memref<19x8x64xf32, #tpu.memory_space<vmem>>, vector<16xf32>,
      tpu.vector_store %arg7[%parallel_loop3A_285, %parallel_loop3A_286, %parallel_loop3A_287], %parallel_loop3A_283 {strides = array<i32>} : memref<19x8x64xf32, #tpu.memory_space<vmem>>, vector<16xf32>,
      %parallel_loop3A_289 = arith.constant 13 : i32
      %parallel_loop3A_290 = vector.broadcast %parallel_loop3A_289 : i32 to vector<16xi32>
      %parallel_loop3A_291 = tpu.vector_load_idx %arg6[%parallel_loop3A_290, %parallel_loop3A_106] : memref<24x32xf32, #tpu.memory_space<vmem>>[vector<16xi32>, vector<16xi32>], vector<16xf32>,
      %parallel_loop3A_292 = arith.constant 13 : i32
      %parallel_loop3A_293 = arith.index_cast %parallel_loop3A_292 : i32 to index
      %parallel_loop3A_294 = arith.index_cast %parallel_loop3A_85 : i32 to index
      %parallel_loop3A_295 = arith.index_cast %parallel_loop3A_103 : i32 to index
      %parallel_loop3A_296 = tpu.vector_load %arg7[%parallel_loop3A_293, %parallel_loop3A_294, %parallel_loop3A_295] {strides = array<i32>} : memref<19x8x64xf32, #tpu.memory_space<vmem>>, vector<16xf32>,
      %parallel_loop3A_297 = arith.addf %parallel_loop3A_296, %parallel_loop3A_291 : vector<16xf32>
      %parallel_loop3A_298 = arith.constant 13 : i32
      %parallel_loop3A_299 = arith.index_cast %parallel_loop3A_298 : i32 to index
      %parallel_loop3A_300 = arith.index_cast %parallel_loop3A_85 : i32 to index
      %parallel_loop3A_301 = arith.index_cast %parallel_loop3A_103 : i32 to index
      %parallel_loop3A_302 = tpu.vector_load %arg7[%parallel_loop3A_299, %parallel_loop3A_300, %parallel_loop3A_301] {strides = array<i32>} : memref<19x8x64xf32, #tpu.memory_space<vmem>>, vector<16xf32>,
      tpu.vector_store %arg7[%parallel_loop3A_299, %parallel_loop3A_300, %parallel_loop3A_301], %parallel_loop3A_297 {strides = array<i32>} : memref<19x8x64xf32, #tpu.memory_space<vmem>>, vector<16xf32>,
      %parallel_loop3A_303 = arith.constant 14 : i32
      %parallel_loop3A_304 = vector.broadcast %parallel_loop3A_303 : i32 to vector<16xi32>
      %parallel_loop3A_305 = tpu.vector_load_idx %arg6[%parallel_loop3A_304, %parallel_loop3A_106] : memref<24x32xf32, #tpu.memory_space<vmem>>[vector<16xi32>, vector<16xi32>], vector<16xf32>,
      %parallel_loop3A_306 = arith.constant 14 : i32
      %parallel_loop3A_307 = arith.index_cast %parallel_loop3A_306 : i32 to index
      %parallel_loop3A_308 = arith.index_cast %parallel_loop3A_85 : i32 to index
      %parallel_loop3A_309 = arith.index_cast %parallel_loop3A_103 : i32 to index
      %parallel_loop3A_310 = tpu.vector_load %arg7[%parallel_loop3A_307, %parallel_loop3A_308, %parallel_loop3A_309] {strides = array<i32>} : memref<19x8x64xf32, #tpu.memory_space<vmem>>, vector<16xf32>,
      %parallel_loop3A_311 = arith.addf %parallel_loop3A_310, %parallel_loop3A_305 : vector<16xf32>
      %parallel_loop3A_312 = arith.constant 14 : i32
      %parallel_loop3A_313 = arith.index_cast %parallel_loop3A_312 : i32 to index
      %parallel_loop3A_314 = arith.index_cast %parallel_loop3A_85 : i32 to index
      %parallel_loop3A_315 = arith.index_cast %parallel_loop3A_103 : i32 to index
      %parallel_loop3A_316 = tpu.vector_load %arg7[%parallel_loop3A_313, %parallel_loop3A_314, %parallel_loop3A_315] {strides = array<i32>} : memref<19x8x64xf32, #tpu.memory_space<vmem>>, vector<16xf32>,
      tpu.vector_store %arg7[%parallel_loop3A_313, %parallel_loop3A_314, %parallel_loop3A_315], %parallel_loop3A_311 {strides = array<i32>} : memref<19x8x64xf32, #tpu.memory_space<vmem>>, vector<16xf32>,
      %parallel_loop3A_317 = arith.constant 15 : i32
      %parallel_loop3A_318 = vector.broadcast %parallel_loop3A_317 : i32 to vector<16xi32>
      %parallel_loop3A_319 = tpu.vector_load_idx %arg6[%parallel_loop3A_318, %parallel_loop3A_106] : memref<24x32xf32, #tpu.memory_space<vmem>>[vector<16xi32>, vector<16xi32>], vector<16xf32>,
      %parallel_loop3A_320 = arith.constant 15 : i32
      %parallel_loop3A_321 = arith.index_cast %parallel_loop3A_320 : i32 to index
      %parallel_loop3A_322 = arith.index_cast %parallel_loop3A_85 : i32 to index
      %parallel_loop3A_323 = arith.index_cast %parallel_loop3A_103 : i32 to index
      %parallel_loop3A_324 = tpu.vector_load %arg7[%parallel_loop3A_321, %parallel_loop3A_322, %parallel_loop3A_323] {strides = array<i32>} : memref<19x8x64xf32, #tpu.memory_space<vmem>>, vector<16xf32>,
      %parallel_loop3A_325 = arith.addf %parallel_loop3A_324, %parallel_loop3A_319 : vector<16xf32>
      %parallel_loop3A_326 = arith.constant 15 : i32
      %parallel_loop3A_327 = arith.index_cast %parallel_loop3A_326 : i32 to index
      %parallel_loop3A_328 = arith.index_cast %parallel_loop3A_85 : i32 to index
      %parallel_loop3A_329 = arith.index_cast %parallel_loop3A_103 : i32 to index
      %parallel_loop3A_330 = tpu.vector_load %arg7[%parallel_loop3A_327, %parallel_loop3A_328, %parallel_loop3A_329] {strides = array<i32>} : memref<19x8x64xf32, #tpu.memory_space<vmem>>, vector<16xf32>,
      tpu.vector_store %arg7[%parallel_loop3A_327, %parallel_loop3A_328, %parallel_loop3A_329], %parallel_loop3A_325 {strides = array<i32>} : memref<19x8x64xf32, #tpu.memory_space<vmem>>, vector<16xf32>,
      %parallel_loop3A_331 = arith.constant 16 : i32
      %parallel_loop3A_332 = vector.broadcast %parallel_loop3A_331 : i32 to vector<16xi32>
      %parallel_loop3A_333 = tpu.vector_load_idx %arg6[%parallel_loop3A_332, %parallel_loop3A_106] : memref<24x32xf32, #tpu.memory_space<vmem>>[vector<16xi32>, vector<16xi32>], vector<16xf32>,
      %parallel_loop3A_334 = arith.constant 16 : i32
      %parallel_loop3A_335 = arith.index_cast %parallel_loop3A_334 : i32 to index
      %parallel_loop3A_336 = arith.index_cast %parallel_loop3A_85 : i32 to index
      %parallel_loop3A_337 = arith.index_cast %parallel_loop3A_103 : i32 to index
      %parallel_loop3A_338 = tpu.vector_load %arg7[%parallel_loop3A_335, %parallel_loop3A_336, %parallel_loop3A_337] {strides = array<i32>} : memref<19x8x64xf32, #tpu.memory_space<vmem>>, vector<16xf32>,
      %parallel_loop3A_339 = arith.addf %parallel_loop3A_338, %parallel_loop3A_333 : vector<16xf32>
      %parallel_loop3A_340 = arith.constant 16 : i32
      %parallel_loop3A_341 = arith.index_cast %parallel_loop3A_340 : i32 to index
      %parallel_loop3A_342 = arith.index_cast %parallel_loop3A_85 : i32 to index
      %parallel_loop3A_343 = arith.index_cast %parallel_loop3A_103 : i32 to index
      %parallel_loop3A_344 = tpu.vector_load %arg7[%parallel_loop3A_341, %parallel_loop3A_342, %parallel_loop3A_343] {strides = array<i32>} : memref<19x8x64xf32, #tpu.memory_space<vmem>>, vector<16xf32>,
      tpu.vector_store %arg7[%parallel_loop3A_341, %parallel_loop3A_342, %parallel_loop3A_343], %parallel_loop3A_339 {strides = array<i32>} : memref<19x8x64xf32, #tpu.memory_space<vmem>>, vector<16xf32>,
      %parallel_loop3A_345 = arith.constant 17 : i32
      %parallel_loop3A_346 = vector.broadcast %parallel_loop3A_345 : i32 to vector<16xi32>
      %parallel_loop3A_347 = tpu.vector_load_idx %arg6[%parallel_loop3A_346, %parallel_loop3A_106] : memref<24x32xf32, #tpu.memory_space<vmem>>[vector<16xi32>, vector<16xi32>], vector<16xf32>,
      %parallel_loop3A_348 = arith.constant 17 : i32
      %parallel_loop3A_349 = arith.index_cast %parallel_loop3A_348 : i32 to index
      %parallel_loop3A_350 = arith.index_cast %parallel_loop3A_85 : i32 to index
      %parallel_loop3A_351 = arith.index_cast %parallel_loop3A_103 : i32 to index
      %parallel_loop3A_352 = tpu.vector_load %arg7[%parallel_loop3A_349, %parallel_loop3A_350, %parallel_loop3A_351] {strides = array<i32>} : memref<19x8x64xf32, #tpu.memory_space<vmem>>, vector<16xf32>,
      %parallel_loop3A_353 = arith.addf %parallel_loop3A_352, %parallel_loop3A_347 : vector<16xf32>
      %parallel_loop3A_354 = arith.constant 17 : i32
      %parallel_loop3A_355 = arith.index_cast %parallel_loop3A_354 : i32 to index
      %parallel_loop3A_356 = arith.index_cast %parallel_loop3A_85 : i32 to index
      %parallel_loop3A_357 = arith.index_cast %parallel_loop3A_103 : i32 to index
      %parallel_loop3A_358 = tpu.vector_load %arg7[%parallel_loop3A_355, %parallel_loop3A_356, %parallel_loop3A_357] {strides = array<i32>} : memref<19x8x64xf32, #tpu.memory_space<vmem>>, vector<16xf32>,
      tpu.vector_store %arg7[%parallel_loop3A_355, %parallel_loop3A_356, %parallel_loop3A_357], %parallel_loop3A_353 {strides = array<i32>} : memref<19x8x64xf32, #tpu.memory_space<vmem>>, vector<16xf32>,
      %parallel_loop3A_359 = arith.constant 18 : i32
      %parallel_loop3A_360 = vector.broadcast %parallel_loop3A_359 : i32 to vector<16xi32>
      %parallel_loop3A_361 = tpu.vector_load_idx %arg6[%parallel_loop3A_360, %parallel_loop3A_106] : memref<24x32xf32, #tpu.memory_space<vmem>>[vector<16xi32>, vector<16xi32>], vector<16xf32>,
      %parallel_loop3A_362 = arith.constant 18 : i32
      %parallel_loop3A_363 = arith.index_cast %parallel_loop3A_362 : i32 to index
      %parallel_loop3A_364 = arith.index_cast %parallel_loop3A_85 : i32 to index
      %parallel_loop3A_365 = arith.index_cast %parallel_loop3A_103 : i32 to index
      %parallel_loop3A_366 = tpu.vector_load %arg7[%parallel_loop3A_363, %parallel_loop3A_364, %parallel_loop3A_365] {strides = array<i32>} : memref<19x8x64xf32, #tpu.memory_space<vmem>>, vector<16xf32>,
      %parallel_loop3A_367 = arith.addf %parallel_loop3A_366, %parallel_loop3A_361 : vector<16xf32>
      %parallel_loop3A_368 = arith.constant 18 : i32
      %parallel_loop3A_369 = arith.index_cast %parallel_loop3A_368 : i32 to index
      %parallel_loop3A_370 = arith.index_cast %parallel_loop3A_85 : i32 to index
      %parallel_loop3A_371 = arith.index_cast %parallel_loop3A_103 : i32 to index
      %parallel_loop3A_372 = tpu.vector_load %arg7[%parallel_loop3A_369, %parallel_loop3A_370, %parallel_loop3A_371] {strides = array<i32>} : memref<19x8x64xf32, #tpu.memory_space<vmem>>, vector<16xf32>,
      tpu.vector_store %arg7[%parallel_loop3A_369, %parallel_loop3A_370, %parallel_loop3A_371], %parallel_loop3A_367 {strides = array<i32>} : memref<19x8x64xf32, #tpu.memory_space<vmem>>, vector<16xf32>,
    } {sc.loop_unroll_factor = 4 : i64, sc.parallel_access}
    "tpu.region"() ({
      %run_scoped3A = tpu.sem_alloc : memref<!tpu.dma_semaphore, #tpu.memory_space<semaphore_mem>>
      %dma_start3A_61 = arith.constant 0 : i32
      %dma_start3A_62 = arith.constant 0 : i32
      %dma_start3A_63 = tpu.memref_slice %arg5[%select_n3A, %dma_start3A_61, %mul3A_32, %dma_start3A_62] : memref<4x19x64x64xf32, #tpu.memory_space<hbm>> -> memref<1x19x8x64xf32, #tpu.memory_space<hbm>>
      %dma_start3A_64 = tpu.memref_squeeze %dma_start3A_63 : memref<1x19x8x64xf32, #tpu.memory_space<hbm>> -> memref<19x8x64xf32, #tpu.memory_space<hbm>>
      %dma_start3A_65 = arith.constant 0 : i32
      %dma_start3A_66 = arith.constant 0 : i32
      %dma_start3A_67 = tpu.memref_slice %arg5[%select_n3A, %dma_start3A_65, %mul3A_32, %dma_start3A_66] : memref<4x19x64x64xf32, #tpu.memory_space<hbm>> -> memref<1x19x8x64xf32, #tpu.memory_space<hbm>>
      %dma_start3A_68 = tpu.memref_squeeze %dma_start3A_67 : memref<1x19x8x64xf32, #tpu.memory_space<hbm>> -> memref<19x8x64xf32, #tpu.memory_space<hbm>>
      tpu.enqueue_dma source(%arg7 : memref<19x8x64xf32, #tpu.memory_space<vmem>>) target(%dma_start3A_68 : memref<19x8x64xf32, #tpu.memory_space<hbm>>) target_semaphore(%run_scoped3A : memref<!tpu.dma_semaphore, #tpu.memory_space<semaphore_mem>>)
      %dma_wait3A_69 = arith.constant 0 : i32
      %dma_wait3A_70 = arith.constant 0 : i32
      %dma_wait3A_71 = tpu.memref_slice %arg5[%select_n3A, %dma_wait3A_69, %mul3A_32, %dma_wait3A_70] : memref<4x19x64x64xf32, #tpu.memory_space<hbm>> -> memref<1x19x8x64xf32, #tpu.memory_space<hbm>>
      %dma_wait3A_72 = tpu.memref_squeeze %dma_wait3A_71 : memref<1x19x8x64xf32, #tpu.memory_space<hbm>> -> memref<19x8x64xf32, #tpu.memory_space<hbm>>
      %dma_wait3A_73 = arith.constant 0 : i32
      %dma_wait3A_74 = arith.constant 0 : i32
      %dma_wait3A_75 = tpu.memref_slice %arg5[%select_n3A, %dma_wait3A_73, %mul3A_32, %dma_wait3A_74] : memref<4x19x64x64xf32, #tpu.memory_space<hbm>> -> memref<1x19x8x64xf32, #tpu.memory_space<hbm>>
      %dma_wait3A_76 = tpu.memref_squeeze %dma_wait3A_75 : memref<1x19x8x64xf32, #tpu.memory_space<hbm>> -> memref<19x8x64xf32, #tpu.memory_space<hbm>>
      tpu.wait_dma2 semaphore(%run_scoped3A : memref<!tpu.dma_semaphore, #tpu.memory_space<semaphore_mem>>) src(%arg7 : memref<19x8x64xf32, #tpu.memory_space<vmem>>) dst(%dma_wait3A_76 : memref<19x8x64xf32, #tpu.memory_space<hbm>>)
      tpu.yield
    }) : () -> ()
    return
  }
}

module attributes {stable_mosaic.version = 14 : i64} {
  func.func @_stats_body(%arg0: i32, %arg1: memref<1xf32, #tpu.memory_space<smem>>, %arg2: memref<1x1x4096xi32, #tpu.memory_space<vmem>>, %arg3: memref<1x128x4096xf32, #tpu.memory_space<vmem>>, %arg4: memref<128x128xf32, #tpu.memory_space<vmem>>, %arg5: memref<24x32xf32, #tpu.memory_space<vmem>>, %arg6: memref<256x32xf32, #tpu.memory_space<vmem>>, %arg7: memref<8x32xf32, #tpu.memory_space<vmem>>) attributes {dimension_semantics = [#tpu.dimension_semantics<arbitrary>], iteration_bounds = array<i64: 4>, scalar_prefetch = 0 : i64, scratch_operands = 2 : i64, tpu.core_type = #tpu.core_type<tc>, window_params = [{transform_indices = @transform_0, window_bounds = array<i64: 1>}, {transform_indices = @transform_1, window_bounds = array<i64: 1, 1, 4096>}, {transform_indices = @transform_2, window_bounds = array<i64: 1, 128, 4096>}, {pipeline_mode = #tpu.pipeline_mode<synchronous>, transform_indices = @transform_3, window_bounds = array<i64: 128, 128>}, {pipeline_mode = #tpu.pipeline_mode<synchronous>, transform_indices = @transform_4, window_bounds = array<i64: 24, 32>}]} {
    %get3A = arith.constant 0 : index
    %get3A_0 = arith.constant 0 : index
    %get3A_1 = arith.constant 0 : index
    %get3A_2 = vector.load %arg3[%get3A, %get3A_0, %get3A_1] : memref<1x128x4096xf32, #tpu.memory_space<vmem>>, vector<1x128x4096xf32>
    %get3A_3 = vector.shape_cast %get3A_2 : vector<1x128x4096xf32> to vector<128x4096xf32>
    %get3A_4 = arith.constant 0 : index
    %get3A_5 = arith.constant 0 : index
    %get3A_6 = arith.constant 0 : index
    %get3A_7 = vector.load %arg2[%get3A_4, %get3A_5, %get3A_6] : memref<1x1x4096xi32, #tpu.memory_space<vmem>>, vector<1x1x4096xi32>
    %get3A_8 = vector.shape_cast %get3A_7 : vector<1x1x4096xi32> to vector<4096xi32>
    %iota3A = tpu.iota {dimensions = array<i32: 0>} : vector<32x4096xi32>
    %broadcast_in_dim3A = vector.shape_cast %get3A_8 : vector<4096xi32> to vector<1x4096xi32>
    %eq3A = vector.broadcast %broadcast_in_dim3A : vector<1x4096xi32> to vector<32x4096xi32>
    %eq3A_9 = arith.cmpi eq, %eq3A, %iota3A : vector<32x4096xi32>
    %convert_element_type3A = arith.extui %eq3A_9 : vector<32x4096xi1> to vector<32x4096xi32>
    %convert_element_type3A_10 = arith.sitofp %convert_element_type3A : vector<32x4096xi32> to vector<32x4096xf32>
    %mul3A = arith.mulf %get3A_3, %get3A_3 : vector<128x4096xf32>
    %concatenate3A = tpu.concatenate %get3A_3, %mul3A in 0 : vector<128x4096xf32>, vector<128x4096xf32> -> vector<256x4096xf32>
    %dot_general3A = arith.constant dense<0.000000e+00> : vector<256x32xf32>
    %dot_general3A_11 = tpu.matmul %concatenate3A, %convert_element_type3A_10, %dot_general3A {dimension_numbers = #tpu.dot_dimension_numbers<[1], [1], [0], [0], [0, 0, 1, 0], [], []>, transpose_lhs_hint = false} : vector<256x4096xf32>, vector<32x4096xf32>, vector<256x32xf32> -> vector<256x32xf32>
    %reduce_sum3A = arith.constant dense<0.000000e+00> : vector<32xf32>
    %reduce_sum3A_12 = vector.multi_reduction <add>, %convert_element_type3A_10, %reduce_sum3A [1] : vector<32x4096xf32> to vector<32xf32>
    %iota3A_13 = tpu.iota {dimensions = array<i32: 0>} : vector<8x32xi32>
    %eq3A_14 = arith.constant 0 : i32
    %eq3A_15 = vector.broadcast %eq3A_14 : i32 to vector<8x32xi32>
    %eq3A_16 = arith.cmpi eq, %iota3A_13, %eq3A_15 : vector<8x32xi32>
    %broadcast_in_dim3A_17 = vector.shape_cast %reduce_sum3A_12 : vector<32xf32> to vector<1x32xf32>
    %jit3A = arith.constant 0.000000e+00 : f32
    %broadcast_in_dim3A_18 = vector.shape_cast %broadcast_in_dim3A_17 : vector<1x32xf32> to vector<1x32xf32>
    %broadcast_in_dim3A_19 = vector.broadcast %broadcast_in_dim3A_18 : vector<1x32xf32> to vector<8x32xf32>
    %broadcast_in_dim3A_20 = vector.broadcast %jit3A : f32 to vector<8x32xf32>
    %select_n3A = arith.select %eq3A_16, %broadcast_in_dim3A_19, %broadcast_in_dim3A_20 : vector<8x32xi1>, vector<8x32xf32>
    %eq3A_21 = arith.constant 0 : i32
    %eq3A_22 = arith.cmpi eq, %arg0, %eq3A_21 : i32
    %convert_element_type3A_23 = arith.extui %eq3A_22 : i1 to i32
    %cond3A = arith.constant 0 : i32
    %cond3A_24 = arith.cmpi ne, %convert_element_type3A_23, %cond3A : i32
    scf.if %cond3A_24 {
      %swap3A = arith.constant 0 : index
      %swap3A_34 = arith.constant 0 : index
      %swap3A_35 = vector.load %arg6[%swap3A, %swap3A_34] : memref<256x32xf32, #tpu.memory_space<vmem>>, vector<256x32xf32>
      tpu.vector_store %arg6[%swap3A, %swap3A_34], %dot_general3A_11 {strides = array<i32>} : memref<256x32xf32, #tpu.memory_space<vmem>>, vector<256x32xf32>,
      %swap3A_36 = arith.constant 0 : index
      %swap3A_37 = arith.constant 0 : index
      %swap3A_38 = vector.load %arg7[%swap3A_36, %swap3A_37] : memref<8x32xf32, #tpu.memory_space<vmem>>, vector<8x32xf32>
      tpu.vector_store %arg7[%swap3A_36, %swap3A_37], %select_n3A {strides = array<i32>} : memref<8x32xf32, #tpu.memory_space<vmem>>, vector<8x32xf32>,
    } else {
    }
    %gt3A = arith.constant 0 : i32
    %gt3A_25 = arith.cmpi sgt, %arg0, %gt3A : i32
    %convert_element_type3A_26 = arith.extui %gt3A_25 : i1 to i32
    %cond3A_27 = arith.constant 0 : i32
    %cond3A_28 = arith.cmpi ne, %convert_element_type3A_26, %cond3A_27 : i32
    scf.if %cond3A_28 {
      %get3A_34 = arith.constant 0 : index
      %get3A_35 = arith.constant 0 : index
      %get3A_36 = vector.load %arg6[%get3A_34, %get3A_35] : memref<256x32xf32, #tpu.memory_space<vmem>>, vector<256x32xf32>
      %add3A = arith.addf %get3A_36, %dot_general3A_11 : vector<256x32xf32>
      %swap3A = arith.constant 0 : index
      %swap3A_37 = arith.constant 0 : index
      %swap3A_38 = vector.load %arg6[%swap3A, %swap3A_37] : memref<256x32xf32, #tpu.memory_space<vmem>>, vector<256x32xf32>
      tpu.vector_store %arg6[%swap3A, %swap3A_37], %add3A {strides = array<i32>} : memref<256x32xf32, #tpu.memory_space<vmem>>, vector<256x32xf32>,
      %get3A_39 = arith.constant 0 : index
      %get3A_40 = arith.constant 0 : index
      %get3A_41 = vector.load %arg7[%get3A_39, %get3A_40] : memref<8x32xf32, #tpu.memory_space<vmem>>, vector<8x32xf32>
      %add3A_42 = arith.addf %get3A_41, %select_n3A : vector<8x32xf32>
      %swap3A_43 = arith.constant 0 : index
      %swap3A_44 = arith.constant 0 : index
      %swap3A_45 = vector.load %arg7[%swap3A_43, %swap3A_44] : memref<8x32xf32, #tpu.memory_space<vmem>>, vector<8x32xf32>
      tpu.vector_store %arg7[%swap3A_43, %swap3A_44], %add3A_42 {strides = array<i32>} : memref<8x32xf32, #tpu.memory_space<vmem>>, vector<8x32xf32>,
    } else {
    }
    %eq3A_29 = arith.constant 3 : i32
    %eq3A_30 = arith.cmpi eq, %arg0, %eq3A_29 : i32
    %convert_element_type3A_31 = arith.extui %eq3A_30 : i1 to i32
    %cond3A_32 = arith.constant 0 : i32
    %cond3A_33 = arith.cmpi ne, %convert_element_type3A_31, %cond3A_32 : i32
    scf.if %cond3A_33 {
      %get3A_34 = arith.constant 0 : index
      %get3A_35 = arith.constant 0 : index
      %get3A_36 = vector.load %arg7[%get3A_34, %get3A_35] : memref<8x32xf32, #tpu.memory_space<vmem>>, vector<1x32xf32>
      %get3A_37 = vector.shape_cast %get3A_36 : vector<1x32xf32> to vector<32xf32>
      %max3A = arith.constant 1.000000e+00 : f32
      %max3A_38 = vector.broadcast %max3A : f32 to vector<32xf32>
      %max3A_39 = arith.maximumf %get3A_37, %max3A_38 : vector<32xf32>
      %div3A = arith.constant 1.000000e+00 : f32
      %div3A_40 = vector.broadcast %div3A : f32 to vector<32xf32>
      %div3A_41 = arith.divf %div3A_40, %max3A_39 : vector<32xf32>
      %get3A_42 = arith.constant 0 : index
      %get3A_43 = arith.constant 0 : index
      %get3A_44 = vector.load %arg6[%get3A_42, %get3A_43] : memref<256x32xf32, #tpu.memory_space<vmem>>, vector<128x32xf32>
      %get3A_45 = arith.constant 128 : index
      %get3A_46 = arith.constant 0 : index
      %get3A_47 = vector.load %arg6[%get3A_45, %get3A_46] : memref<256x32xf32, #tpu.memory_space<vmem>>, vector<128x32xf32>
      %broadcast_in_dim3A_48 = vector.shape_cast %div3A_41 : vector<32xf32> to vector<1x32xf32>
      %mul3A_49 = vector.broadcast %broadcast_in_dim3A_48 : vector<1x32xf32> to vector<128x32xf32>
      %mul3A_50 = arith.mulf %get3A_44, %mul3A_49 : vector<128x32xf32>
      %broadcast_in_dim3A_51 = vector.shape_cast %div3A_41 : vector<32xf32> to vector<1x32xf32>
      %mul3A_52 = vector.broadcast %broadcast_in_dim3A_51 : vector<1x32xf32> to vector<128x32xf32>
      %mul3A_53 = arith.mulf %get3A_47, %mul3A_52 : vector<128x32xf32>
      %mul3A_54 = arith.mulf %mul3A_50, %mul3A_50 : vector<128x32xf32>
      %sub3A = arith.subf %mul3A_53, %mul3A_54 : vector<128x32xf32>
      %broadcast_in_dim3A_55 = vector.shape_cast %get3A_37 : vector<32xf32> to vector<1x32xf32>
      %gt3A_56 = arith.constant 0.000000e+00 : f32
      %gt3A_57 = vector.broadcast %gt3A_56 : f32 to vector<1x32xf32>
      %gt3A_58 = arith.cmpf ogt, %broadcast_in_dim3A_55, %gt3A_57 : vector<1x32xf32>
      %jit3A_59 = arith.constant 0.000000e+00 : f32
      %broadcast_in_dim3A_60 = vector.shape_cast %gt3A_58 : vector<1x32xi1> to vector<1x32xi1>
      %broadcast_in_dim3A_61 = vector.broadcast %broadcast_in_dim3A_60 : vector<1x32xi1> to vector<128x32xi1>
      %broadcast_in_dim3A_62 = vector.broadcast %jit3A_59 : f32 to vector<128x32xf32>
      %select_n3A_63 = arith.select %broadcast_in_dim3A_61, %sub3A, %broadcast_in_dim3A_62 : vector<128x32xi1>, vector<128x32xf32>
      %get3A_64 = arith.constant 0 : index
      %get3A_65 = arith.constant 0 : index
      %get3A_66 = vector.load %arg4[%get3A_64, %get3A_65] : memref<128x128xf32, #tpu.memory_space<vmem>>, vector<128x128xf32>
      %slice3A = vector.extract_strided_slice %get3A_66 {offsets = [0, 0], sizes = [24, 128], strides = [1, 1]} : vector<128x128xf32> to vector<24x128xf32>
      %transpose3A = tpu.transpose %get3A_66, [1, 0] : vector<128x128xf32> -> vector<128x128xf32>
      %slice3A_67 = vector.extract_strided_slice %transpose3A {offsets = [0, 0], sizes = [128, 32], strides = [1, 1]} : vector<128x128xf32> to vector<128x32xf32>
      %mul3A_68 = arith.mulf %slice3A, %slice3A : vector<24x128xf32>
      %dot_general3A_69 = arith.constant dense<0.000000e+00> : vector<24x32xf32>
      %dot_general3A_70 = tpu.matmul %mul3A_68, %select_n3A_63, %dot_general3A_69 {dimension_numbers = #tpu.dot_dimension_numbers<[1], [0], [0], [1], [0, 0, 1, 1], [], []>, precision = #tpu.contract_precision<fp32>, transpose_lhs_hint = false} : vector<24x128xf32>, vector<128x32xf32>, vector<24x32xf32> -> vector<24x32xf32>
      %mul3A_71 = arith.mulf %select_n3A_63, %slice3A_67 : vector<128x32xf32>
      %dot_general3A_72 = arith.constant dense<0.000000e+00> : vector<24x32xf32>
      %dot_general3A_73 = tpu.matmul %slice3A, %mul3A_71, %dot_general3A_72 {dimension_numbers = #tpu.dot_dimension_numbers<[1], [0], [0], [1], [0, 0, 1, 1], [], []>, precision = #tpu.contract_precision<fp32>, transpose_lhs_hint = false} : vector<24x128xf32>, vector<128x32xf32>, vector<24x32xf32> -> vector<24x32xf32>
      %mul3A_74 = arith.mulf %slice3A_67, %slice3A_67 : vector<128x32xf32>
      %mul3A_75 = arith.mulf %mul3A_74, %select_n3A_63 : vector<128x32xf32>
      %reduce_sum3A_76 = arith.constant dense<0.000000e+00> : vector<32xf32>
      %reduce_sum3A_77 = vector.multi_reduction <add>, %mul3A_75, %reduce_sum3A_76 [0] : vector<128x32xf32> to vector<32xf32>
      %mul3A_78 = arith.constant 2.000000e+00 : f32
      %mul3A_79 = vector.broadcast %mul3A_78 : f32 to vector<24x32xf32>
      %mul3A_80 = arith.mulf %mul3A_79, %dot_general3A_73 : vector<24x32xf32>
      %sub3A_81 = arith.subf %dot_general3A_70, %mul3A_80 : vector<24x32xf32>
      %broadcast_in_dim3A_82 = vector.shape_cast %reduce_sum3A_77 : vector<32xf32> to vector<1x32xf32>
      %add3A = vector.broadcast %broadcast_in_dim3A_82 : vector<1x32xf32> to vector<24x32xf32>
      %add3A_83 = arith.addf %sub3A_81, %add3A : vector<24x32xf32>
      %get3A_84 = arith.constant 0 : index
      %get3A_85 = memref.load %arg1[%get3A_84] : memref<1xf32, #tpu.memory_space<smem>>
      %mul3A_86 = vector.broadcast %get3A_85 : f32 to vector<24x32xf32>
      %mul3A_87 = arith.mulf %add3A_83, %mul3A_86 : vector<24x32xf32>
      %swap3A = arith.constant 0 : index
      %swap3A_88 = arith.constant 0 : index
      %swap3A_89 = vector.load %arg5[%swap3A, %swap3A_88] : memref<24x32xf32, #tpu.memory_space<vmem>>, vector<24x32xf32>
      tpu.vector_store %arg5[%swap3A, %swap3A_88], %mul3A_87 {strides = array<i32>} : memref<24x32xf32, #tpu.memory_space<vmem>>, vector<24x32xf32>,
    } else {
    }
    return
  }
  func.func @transform_0(%arg0: i32) -> i32 {
    %c0_i32 = arith.constant 0 : i32
    %c0_i32_0 = arith.constant 0 : i32
    return %c0_i32 : i32
  }
  func.func @transform_1(%arg0: i32) -> (i32, i32, i32) {
    %c0_i32 = arith.constant 0 : i32
    %c0_i32_0 = arith.constant 0 : i32
    %c0_i32_1 = arith.constant 0 : i32
    return %arg0, %c0_i32, %c0_i32_0 : i32, i32, i32
  }
  func.func @transform_2(%arg0: i32) -> (i32, i32, i32) {
    %c0_i32 = arith.constant 0 : i32
    %c0_i32_0 = arith.constant 0 : i32
    %c0_i32_1 = arith.constant 0 : i32
    return %arg0, %c0_i32, %c0_i32_0 : i32, i32, i32
  }
  func.func @transform_3(%arg0: i32) -> (i32, i32) {
    %c0_i32 = arith.constant 0 : i32
    %c0_i32_0 = arith.constant 0 : i32
    %c0_i32_1 = arith.constant 0 : i32
    return %c0_i32, %c0_i32_0 : i32, i32
  }
  func.func @transform_4(%arg0: i32) -> (i32, i32) {
    %c0_i32 = arith.constant 0 : i32
    %c0_i32_0 = arith.constant 0 : i32
    %c0_i32_1 = arith.constant 0 : i32
    return %c0_i32, %c0_i32_0 : i32, i32
  }
}

</mosaic_0001>

<sc_bundles>
// kernel: kernel.4.cloned.1.call-start
scs
__scs_entry_jumppad:
0x0: {  	(pc) =	sbr.rel $0x88, $3  }
0x1: {  	(tag) =	ssettag $0x0;
	lr =	simm.s32 $0x1  }
0x2: {  	[smem:$0x3F9C] =	sst lr;
	_ =	strace $0xD0000000  }
0x3: {  	_ = 	snop  }
0x4: {  	_ = 	snop  }
0x5: {  	_ = 	snop  }
0x6: {  	_ = 	snop  }
0x7: {  	_ = 	snop  }
__scs_overlays_trampoline_lowered:
0x8: {  	[smem:$0x3FAB] =	sst s0  }
0x9: {  	[smem:$0x3FAC] =	sst s1  }
0xa: {  	[smem:$0x3FAD] =	sst s2  }
0xb: {  	[smem:$0x3FAE] =	sst s3  }
0xc: {  	[smem:$0x3FAF] =	sst s4  }
0xd: {  	[smem:$0x3FB0] =	sst s5  }
0xe: {  	[smem:$0x3FB1] =	sst s6  }
0xf: {  	[smem:$0x3FB2] =	sst s7  }
0x10: {  	[smem:$0x3FB3] =	sst s8  }
0x11: {  	[smem:$0x3FB4] =	sst s9;
	s0 =	simm.s32 @!p0 $0x0  }
0x12: {  	s1 =	sld [smem:$0x3F9A];
	s0 =	simm.s32 @p0 $0x1  }
0x13: {  	[smem:$0x3FB5] =	sst s0;
	s0 =	simm.s32 @!p1 $0x0  }
0x14: {  	s2 =	sld [smem:$0x3F99];
	s0 =	simm.s32 @p1 $0x1  }
0x15: {  	[smem:$0x3FB6] =	sst s0;
	s0 =	simm.s32 @!p2 $0x0  }
0x16: {  	s3 =	sld [smem:$0x3FDB];
	s0 =	simm.s32 @p2 $0x1  }
0x17: {  	s4 =	simm.s32 $0x1BF5;
	[smem:$0x3FB8] =	sst s0  }
0x18: {  	s0 =	sld [smem:$0x3F9B];
	_ =	swait.ge [sflag:s4], $0x0  }
0x19: {  	s7 =	sld [smem:$0x3F9C]  }
0x1a: {  	s8 =	sadd.s32 $0xFFFFE003, lr  }
0x1b: {  	s9 =	sadd.s32 $0xFFFFFEF7, lr;
	s5 =	simm.s32 $0xFFFFFFFF;
	p2 =	slt.u32 s8, $0xFFFFF086  }
0x1c: {  	p1 =	slt.u32 s9, $0xF7A;
	s5 =	simm.s32 @!p2 $0x0  }
0x1d: {  	s5 =	simm.s32 @p1 $0x1;
	p0 =	seq.s32 s7, s2  }
0x1e: {  	s7 =	smul.u32 @!p0 $0xF7A, s2;
	p2 =	seq.s32 @!p0 s5, $0x0  }
0x1f: {  	s9 =	smul.u32 $0xF7A, s1;
	s8 =	simm.s32 @!p0 $0x1BF5;
	p2 =	por !p2, p0  }
0x20: {  	[sflag:s8] =	ssyncset.s32 @!p0 $0xFFFFF086;
	s6 =	sadd.s32 @!p0 s3, s7;
	s7 =	simm.s32 @!p0 $0x108  }
0x21: {  	s3 =	sadd.s32 s3, s9;
	s6 =	sadd.s32 @!p0 $0x88, s6;
	s7 =	simm.s32 @p2 $0x1082  }
0x22: {  	[simem:s7], [sflag:s8] =	dma.local @!p0 [hbm:s6], $0xF7A  }
0x23: {  	s9 =	sor.u32 $0xD0000000, s2;
	s6 =	simm.s32 $0x108;
	_ =	swait.ge @!p0 [sflag:s8], $0x0  }
0x24: {  	s3 =	sadd.s32 $0x88, s3;
	s6 =	simm.s32 @!p1 $0x1082;
	[sflag:s4] =	ssyncset.s32 $0xFFFFF086  }
0x25: {  	[simem:s6], [sflag:s4] =	dma.local [hbm:s3], $0xF7A  }
0x26: {  	[smem:$0x3F9C] =	sst s1;
	(tag) =	ssettag s2;
	_ =	strace s9  }
0x27: {  	s1 =	sld [smem:$0x3FAC]  }
0x28: {  	s2 =	sld [smem:$0x3FAD]  }
0x29: {  	s4 =	sld [smem:$0x3FAF]  }
0x2a: {  	p0 =	seq.s32 s5, $0x0;
	s5 =	sld [smem:$0x3FB0]  }
0x2b: {  	s6 =	sld [smem:$0x3FB1]  }
0x2c: {  	s7 =	sld [smem:$0x3FB2]  }
0x2d: {  	s3 =	simm.s32 $0x108;
	s8 =	sld [smem:$0x3FB3]  }
0x2e: {  	s3 =	simm.s32 @!p0 $0x1082;
	s9 =	sld [smem:$0x3FB4]  }
0x2f: {  	lr =	sadd.s32 s0, s3;
	s0 =	sld [smem:$0x3FAB]  }
0x30: {  	s3 =	sld [smem:$0x3FAE]  }
0x31: {  	[smem:$0x3FB7] =	sst s10  }
0x32: {  	s10 =	sld [smem:$0x3FB5];
	_ =	sdelay $0x3  }
0x33: {  	p0 =	seq.s32 s10, $0x1;
	s10 =	sld [smem:$0x3FB7];
	_ =	sdelay $0x3  }
0x34: {  	[smem:$0x3FB7] =	sst s10  }
0x35: {  	s10 =	sld [smem:$0x3FB6];
	_ =	sdelay $0x3  }
0x36: {  	p1 =	seq.s32 s10, $0x1;
	s10 =	sld [smem:$0x3FB7];
	_ =	sdelay $0x3  }
0x37: {  	[smem:$0x3FB7] =	sst s10  }
0x38: {  	s10 =	sld [smem:$0x3FB8]  }
0x39: {  	_ = 	snop;
	(pc) =	sbr.ind lr, $3  }
0x3a: {  	_ = 	snop  }
0x3b: {  	_ = 	snop  }
0x3c: {  	p2 =	seq.s32 s10, $0x1;
	s10 =	sld [smem:$0x3FB7]  }
0x3d: {  	_ =	shalt  }
0x3e: {  	_ =	shalt  }
0x3f: {  	_ =	shalt  }
0x40: {  	_ =	shalt  }
0x41: {  	_ =	shalt  }
0x42: {  	_ =	shalt  }
0x43: {  	_ =	shalt  }
0x44: {  	_ =	shalt  }
0x45: {  	_ =	shalt  }
0x46: {  	_ =	shalt  }
0x47: {  	_ =	shalt  }
0x48: {  	_ =	shalt  }
0x49: {  	_ =	shalt  }
0x4a: {  	_ =	shalt  }
0x4b: {  	_ =	shalt  }
0x4c: {  	_ =	shalt  }
0x4d: {  	_ =	shalt  }
0x4e: {  	_ =	shalt  }
0x4f: {  	_ =	shalt  }
0x50: {  	_ =	shalt  }
0x51: {  	_ =	shalt  }
0x52: {  	_ =	shalt  }
0x53: {  	_ =	shalt  }
0x54: {  	_ =	shalt  }
0x55: {  	_ =	shalt  }
0x56: {  	_ =	shalt  }
0x57: {  	_ =	shalt  }
0x58: {  	_ =	shalt  }
0x59: {  	_ =	shalt  }
0x5a: {  	_ =	shalt  }
0x5b: {  	_ =	shalt  }
0x5c: {  	_ =	shalt  }
0x5d: {  	_ =	shalt  }
0x5e: {  	_ =	shalt  }
0x5f: {  	_ =	shalt  }
0x60: {  	_ =	shalt  }
0x61: {  	_ =	shalt  }
0x62: {  	_ =	shalt  }
0x63: {  	_ =	shalt  }
0x64: {  	_ =	shalt  }
0x65: {  	_ =	shalt  }
0x66: {  	_ =	shalt  }
0x67: {  	_ =	shalt  }
0x68: {  	_ =	shalt  }
0x69: {  	_ =	shalt  }
0x6a: {  	_ =	shalt  }
0x6b: {  	_ =	shalt  }
0x6c: {  	_ =	shalt  }
0x6d: {  	_ =	shalt  }
0x6e: {  	_ =	shalt  }
0x6f: {  	_ =	shalt  }
0x70: {  	_ =	shalt  }
0x71: {  	_ =	shalt  }
0x72: {  	_ =	shalt  }
0x73: {  	_ =	shalt  }
0x74: {  	_ =	shalt  }
0x75: {  	_ =	shalt  }
0x76: {  	_ =	shalt  }
0x77: {  	_ =	shalt  }
0x78: {  	_ =	shalt  }
0x79: {  	_ =	shalt  }
0x7a: {  	_ =	shalt  }
0x7b: {  	_ =	shalt  }
0x7c: {  	_ =	shalt  }
0x7d: {  	_ =	shalt  }
0x7e: {  	_ =	shalt  }
0x7f: {  	_ =	shalt  }
0x80: {  	_ =	shalt  }
0x81: {  	_ =	shalt  }
0x82: {  	_ =	shalt  }
0x83: {  	_ =	shalt  }
0x84: {  	_ =	shalt  }
0x85: {  	_ =	shalt  }
0x86: {  	_ =	shalt  }
0x87: {  	_ =	shalt  }
.Lfunc_end0:
.L_simem_size_0:
called_computation_lowered:
.L_overlay_start_0:
0x88: {  	s2 =	sld [smem:$0x3FD9]  }
0x89: {  	s3 =	sld [smem:$0x3FFE];
	_ =	sdelay $0x1  }
0x8a: {  	s1 =	srdreg.scid  }
0x8b: {  	s0 =	sand.u32 $0x1, s1  }
0x8c: {  	s17 =	sshll.u32 s0, $0xA;
	s2 =	sadd.s32 s3, s2  }
0x8d: {  	s2 =	sadd.s32 s2, s17  }
0x8e: {  	[smem:$0x3FC3] =	sst s2  }
0x8f: {  	_ = 	snop  }
0x90: {  	s2 =	sld [smem:$0x3FC7]  }
0x91: {  	s18 =	sld [smem:$0x3FC6]  }
0x92: {  	s4 =	sld [smem:$0x3FD0];
	(tm) =	ssettm $0x1  }
0x93: {  	s5 =	sld [smem:$0x3FFB];
	_ =	sdelay $0x3  }
0x94: {  	_ =	strace s5  }
0x95: {  	s5 =	sld [smem:$0x3FFC];
	_ =	sdelay $0x3  }
0x96: {  	_ =	strace s5  }
0x97: {  	s5 =	sld [smem:$0x3FFD];
	_ =	sdelay $0x3  }
0x98: {  	_ =	strace s5  }
0x99: {  	_ =	strace $0x8FFFFFFF  }
0x9a: {  	s19 =	sld [smem:$0x3FDB];
	_ =	sdelay $0x1  }
0x9b: {  	s6 =	simm.s32 $_scs_section_size  }
0x9c: {  	s7 =	simm.s32 $_size__tile_overlayer_lowered;
	s8 =	simm.s32 $_tile_overlayer_lowered  }
0x9d: {  	s22 =	simm.s32 $0x1BFF;
	s21 =	sshll.u32 s8, $0x1;
	s5 =	sadd.s32 s6, s19  }
0x9e: {  	s9 =	simm.s32 $0x0;
	s20 =	sshll.u32 s7, $0x1;
	s7 =	sadd.s32 s21, s5  }
0x9f: {  	[timem:s9], [sflag:s22] =	dma.local [hbm:s7], s20  }
0xa0: {  	_ =	swait.ge [sflag:s22], s20  }
0xa1: {  	s6 =	ssub.s32 $0x0, s20;
	[sflag:s22] =	ssyncset.done $0x0  }
0xa2: {  	[sflag:s22] =	ssyncadd.s32 s6;
	_ =	sdelay $0x1  }
0xa3: {  	s23 =	simm.s32 $0x1B8B  }
0xa4: {  	_ =	swait.ge [sflag:s23], $0x1  }
0xa5: {  	[sflag:s23] =	ssyncset.done $0x0  }
0xa6: {  	s25 =	simm.s32 $0x1B8E;
	s24 =	sld [smem:$0x3FFE];
	[sflag:s23] =	ssyncadd.s32 $0xFFFFFFFF  }
0xa7: {  	s26 =	simm.s32 $execute0_lowered;
	[smem:$0x3FD2] =	sst s25  }
0xa8: {  	s7 =	sshll.u32 s26, $0x1;
	_ =	strace $0x80000046;
	[dreg:$0x1] =	wrdreg $0xFFFFFFFF  }
0xa9: {  	s28 =	simm.s32 $_size_execute0_lowered;
	s5 =	sadd.s32 s5, s7;
	[dreg:$0x0] =	wrdreg $0x0  }
0xaa: {  	s7 =	sshll.u32 s28, $0x1;
	[dreg:$0x2] =	wrdreg s5  }
0xab: {  	[dreg:$0x3] =	wrdreg s7  }
0xac: {  	[dreg:$0x4] =	wrdreg $0xC0  }
0xad: {  	_ =	task [dreg:s9], $0x5FFFF  }
0xae: {  	[dreg:$0x1] =	wrdreg $0xFFFFFFFF  }
0xaf: {  	[dreg:$0x0] =	wrdreg $0x60  }
0xb0: {  	[dreg:$0x2] =	wrdreg s2  }
0xb1: {  	[dreg:$0x3] =	wrdreg s18  }
0xb2: {  	[dreg:$0x4] =	wrdreg s24  }
0xb3: {  	[dreg:$0x5] =	wrdreg s4  }
0xb4: {  	[dreg:$0x6] =	wrdreg $0x9  }
0xb5: {  	_ =	task.clear_ibuf [dreg:s9], $0x7FFFF;
	_ =	strace $0x90000046  }
0xb6: {  	s29 =	simm.s32 $0x9;
	_ =	strace $0x80000048  }
0xb7: {  	_ =	swait.ge [sflag:s29], $0x1  }
0xb8: {  	[sflag:s29] =	ssyncadd.s32 $0xFFFFFFFF  }
0xb9: {  	_ =	strace $0x90000048  }
0xba: {  	_ =	sfence  }
0xbb: {  	s30 =	sld [smem:$0x0];
	_ =	sdelay $0x2  }
0xbc: {  	s31 =	sshll.u32 s1, $0xD;
	s1 =	sshrl.u32 s1, $0x2  }
0xbd: {  	s3 =	sand.u32 $0x4000, s31;
	s1 =	sadd.s32 s1, s30  }
0xbe: {  	s0 =	sor.u32 s3, s0;
	s1 =	sshll.u32 s1, $0x11  }
0xbf: {  	s0 =	sor.u32 s1, s0  }
0xc0: {  	s0 =	sadd.s32 $0x8F2B, s0  }
0xc1: {  	[sflag:s0] =	ssyncadd.remote.s32 $0x1  }
0xc2: {  	_ =	sfence.sel $0xFFFF  }
0xc3: {  	[dreg:$0x0] =	wrdreg $0xFFFFFFFF;
	(pc) =	sbr.abs _section_cstart, $3  }
0xc4: {  	[dreg:$0x1] =	wrdreg $0xFFFFFFFF  }
0xc5: {  	_ =	task.clear_ibuf [dreg:s9], $0x2FFFF;
	_ =	strace $0x9FFFFFFF  }
0xc6: {  	(tm) =	ssettm $0x7FFFFFFF  }
0xc7: {  	_ =	shalt  }
tec
execute0_lowered:
.L_overlay_start_1:
0x0: {  	(tag) =	ssettag $0x1  }
0x1: {  	s5 =	rddreg [dreg:$0x0]  }
0x2: {  	s4 =	rddreg [dreg:$0x1]  }
0x3: {  	s3 =	rddreg [dreg:$0x2]  }
0x4: {  	s6 =	rddreg [dreg:$0x3]  }
0x5: {  	s0 =	rddreg [dreg:$0x4];
	s1 =	stileid.u32  }
0x6: {  	s2 =	simm.s32 $0x0;
	s7 =	srdreg.scid;
	s12 =	simm.s32 $0x1  }
0x7: {  	s13 =	simm.s32 $0x2;
	s14 =	simm.s32 $0x3;
	s15 =	simm.s32 $0x4  }
0x8: {  	s16 =	simm.s32 $0x0;
	s8 =	sshll.u32 s1, $0x1;
	[smem:$0x7FF] =	sst s2  }
0x9: {  	s7 =	sand.u32 $0x1, s7;
	s9 =	sshrl.u32 s1, $0x2;
	s8 =	sand.u32 $0x6, s8  }
0xa: {  	s3 =	sadd.s32 $0x800, s3;
	s10 =	sshll.u32 s9, $0xD;
	s8 =	sor.u32 s7, s8  }
0xb: {  	s9 =	smul.u32 $0x26000, s9;
	s7 =	ssub.s32 $0x2, s7;
	s8 =	sshll.u32 s8, $0xA  }
0xc: {  	_ =	strace $0x80000047;
	s11 =	sshrl.u32 s7, $0x1;
	s10 =	sor.u32 s10, s8  }
0xd: {  	s8 =	sor.u32 s9, s8;
	s7 =	ssub.s32 s7, s11;
	s9 =	simm.s32 $0x400  }
0xe: {  	s11 =	simm.s32 $0xC00;
	s10 =	sshrl.u32 s10, $0x3;
	s8 =	sshrl.u32 s8, $0x3  }
0xf: {  	s7 =	smax.u32 s7, $0x1;
	s4 =	sadd.s32 s4, s10;
	s5 =	sadd.s32 s5, s8  }
0x10: {  	s6 =	sadd.s32 s6, s8;
	s8 =	simm.s32 $0x5800;
	s10 =	simm.s32 $0x2000  }
.LBB2_1:
0x11: {  	[tilespmem:s2], [sflag:$0x1] =	stream.linear.gather [hbm4b:s3+s2], $0xC00, $0x38;
	[tilespmem:$0x5C00] =	vst v63  }
0x12: {  	_ = 	snop  }
0x13: {  	[tilespmem:s8], [sflag:$0x2] =	stream.linear.gather [hbm4b:s4+s2], $0x400, $0x38;
	[tilespmem:$0x5C00] =	vst v63  }
0x14: {  	_ = 	snop  }
0x15: {  	[tilespmem:s11], [sflag:$0x3] =	stream.strided.gather [hbm4b:s5+s9], $0x4C00, s10, s9, $0x38;
	[tilespmem:$0x5C00] =	vst v63  }
0x16: {  	_ =	swait.ge [sflag:s12], $0xC00  }
0x17: {  	[sflag:s12] =	ssyncset.done $0x0  }
0x18: {  	[sflag:s12] =	ssyncadd.s32 $0xFFFFF400  }
0x19: {  	_ =	swait.ge [sflag:s13], $0x400  }
0x1a: {  	[sflag:s13] =	ssyncset.done $0x0  }
0x1b: {  	[sflag:s13] =	ssyncadd.s32 $0xFFFFFC00  }
0x1c: {  	_ =	swait.ge [sflag:s14], $0x4C00  }
0x1d: {  	[sflag:s14] =	ssyncset.done $0x0  }
0x1e: {  	s17 =	simm.s32 $0x0;
	[sflag:s14] =	ssyncadd.s32 $0xFFFFB400  }
0x1f: {  	v17 =	vld [tilespmem:s17+$0x5830]  }
0x20: {  	v6 =	vld [tilespmem:s17+$0x5800]  }
0x21: {  	v3 =	vld [tilespmem:s17+$0x5810]  }
0x22: {  	v2 =	vld [tilespmem:s17+$0x5820]  }
0x23: {  	v1 =	vld [tilespmem:s17+$0xC30]  }
0x24: {  	v4 =	vld [tilespmem:s17+$0xC00]  }
0x25: {  	v5 =	vld [tilespmem:s17+$0xC10]  }
0x26: {  	v32 =	vld [tilespmem:s17+$0x1030]  }
0x27: {  	v13 =	vld [tilespmem:s17+$0x1000]  }
0x28: {  	v14 =	vld [tilespmem:s17+$0x1410]  }
0x29: {  	v15 =	vld [tilespmem:s17+$0x1820]  }
0x2a: {  	v40 =	vld [tilespmem:s17+$0x2010]  }
0x2b: {  	v16 =	vld [tilespmem:s17+$0x2400]  }
0x2c: {  	v18 =	vld [tilespmem:s17+$0x2410]  }
0x2d: {  	v19 =	vld [tilespmem:s17+$0x2820]  }
0x2e: {  	v20 =	vld [tilespmem:s17+$0x3400]  }
0x2f: {  	v0 =	vld.idx.msk [tilespmem:v17+s2+$0x0], $0xffff  }
0x30: {  	v21 =	vld [tilespmem:s17+$0x3410]  }
0x31: {  	v48 =	vld [tilespmem:s17+$0x3420]  }
0x32: {  	v8 =	vadd.s32 $0x80, v17;
	v7 =	vld.idx.msk [tilespmem:v6+s2+$0x0], $0xffff  }
0x33: {  	v9 =	vld.idx.msk [tilespmem:v3+s2+$0x0], $0xffff  }
0x34: {  	v10 =	vld.idx.msk [tilespmem:v2+s2+$0x0], $0xffff;
	v0 =	vadd.f32 v1, v0  }
0x35: {  	v11 =	vadd.s32 $0x80, v6;
	v1 =	vld [tilespmem:s17+$0xC20]  }
0x36: {  	v22 =	vld [tilespmem:s17+$0x3820];
	[tilespmem:s17+$0xC30] =	vst v0;
	v0 =	vadd.s32 $0x80, v3  }
0x37: {  	v4 =	vadd.f32 v4, v7;
	v8 =	vld.idx.msk [tilespmem:v8+s2+$0x0], $0xffff  }
0x38: {  	v23 =	vld [tilespmem:s17+$0x4000];
	v12 =	vadd.s32 $0x80, v2;
	v5 =	vadd.f32 v5, v9  }
0x39: {  	v9 =	vld [tilespmem:s17+$0x1020];
	[tilespmem:s17+$0xC00] =	vst v4  }
0x3a: {  	v33 =	vadd.s32 $0x100, v17;
	[tilespmem:s17+$0xC10] =	vst v5;
	v4 =	vld.idx.msk [tilespmem:v11+s2+$0x0], $0xffff;
	v1 =	vadd.f32 v1, v10  }
0x3b: {  	v0 =	vld.idx.msk [tilespmem:v0+s2+$0x0], $0xffff  }
0x3c: {  	[tilespmem:s17+$0xC20] =	vst v1;
	v7 =	vadd.f32 v32, v8;
	v8 =	vld [tilespmem:s17+$0x1010]  }
0x3d: {  	v34 =	vadd.s32 $0x100, v6;
	v1 =	vld.idx.msk [tilespmem:v12+s2+$0x0], $0xffff  }
0x3e: {  	v10 =	vld [tilespmem:s17+$0x1430];
	[tilespmem:s17+$0x1030] =	vst v7  }
0x3f: {  	v11 =	vadd.s32 $0x100, v3;
	v4 =	vadd.f32 v13, v4;
	v5 =	vld.idx.msk [tilespmem:v33+s2+$0x0], $0xffff  }
0x40: {  	v24 =	vld [tilespmem:s17+$0x4410];
	v12 =	vadd.s32 $0x100, v2  }
0x41: {  	v13 =	vld [tilespmem:s17+$0x1400];
	[tilespmem:s17+$0x1000] =	vst v4;
	v0 =	vadd.f32 v8, v0  }
0x42: {  	v35 =	vadd.s32 $0x180, v17;
	v7 =	vld.idx.msk [tilespmem:v34+s2+$0x0], $0xffff;
	v1 =	vadd.f32 v9, v1  }
0x43: {  	[tilespmem:s17+$0x1010] =	vst v0;
	v0 =	vld [tilespmem:s17+$0x1420]  }
0x44: {  	[tilespmem:s17+$0x1020] =	vst v1;
	v5 =	vadd.f32 v10, v5;
	v8 =	vld.idx.msk [tilespmem:v11+s2+$0x0], $0xffff  }
0x45: {  	v36 =	vadd.s32 $0x180, v6;
	v1 =	vld.idx.msk [tilespmem:v12+s2+$0x0], $0xffff  }
0x46: {  	v9 =	vld [tilespmem:s17+$0x1830];
	[tilespmem:s17+$0x1430] =	vst v5  }
0x47: {  	v10 =	vadd.s32 $0x180, v3;
	v7 =	vadd.f32 v13, v7;
	v4 =	vld.idx.msk [tilespmem:v35+s2+$0x0], $0xffff  }
0x48: {  	v25 =	vld [tilespmem:s17+$0x4800];
	v12 =	vadd.s32 $0x180, v2  }
0x49: {  	v11 =	vld [tilespmem:s17+$0x1800];
	[tilespmem:s17+$0x1400] =	vst v7;
	v37 =	vadd.f32 v14, v8  }
0x4a: {  	v5 =	vld.idx.msk [tilespmem:v36+s2+$0x0], $0xffff;
	v8 =	vadd.s32 $0x200, v17;
	v0 =	vadd.f32 v0, v1  }
0x4b: {  	v13 =	vld [tilespmem:s17+$0x1810];
	[tilespmem:s17+$0x1410] =	vst v37  }
0x4c: {  	[tilespmem:s17+$0x1420] =	vst v0;
	v4 =	vadd.f32 v9, v4;
	v7 =	vld.idx.msk [tilespmem:v10+s2+$0x0], $0xffff  }
0x4d: {  	v38 =	vadd.s32 $0x200, v6;
	v0 =	vld.idx.msk [tilespmem:v12+s2+$0x0], $0xffff  }
0x4e: {  	v9 =	vld [tilespmem:s17+$0x1C30];
	[tilespmem:s17+$0x1830] =	vst v4  }
0x4f: {  	v10 =	vadd.s32 $0x200, v3;
	v5 =	vadd.f32 v11, v5;
	v8 =	vld.idx.msk [tilespmem:v8+s2+$0x0], $0xffff  }
0x50: {  	v1 =	vld [tilespmem:s17+$0x1C00];
	v11 =	vadd.s32 $0x200, v2  }
0x51: {  	v12 =	vld [tilespmem:s17+$0x1C10];
	[tilespmem:s17+$0x1800] =	vst v5;
	v7 =	vadd.f32 v13, v7  }
0x52: {  	v39 =	vadd.s32 $0x280, v17;
	v4 =	vld.idx.msk [tilespmem:v38+s2+$0x0], $0xffff;
	v0 =	vadd.f32 v15, v0  }
0x53: {  	v13 =	vld [tilespmem:s17+$0x1C20];
	[tilespmem:s17+$0x1810] =	vst v7  }
0x54: {  	[tilespmem:s17+$0x1820] =	vst v0;
	v8 =	vadd.f32 v9, v8;
	v9 =	vld.idx.msk [tilespmem:v10+s2+$0x0], $0xffff  }
0x55: {  	v0 =	vld.idx.msk [tilespmem:v11+s2+$0x0], $0xffff  }
0x56: {  	v10 =	vld [tilespmem:s17+$0x2030];
	[tilespmem:s17+$0x1C30] =	vst v8  }
0x57: {  	s18 =	simm.s32 $0x80;
	v8 =	vadd.s32 $0x280, v6;
	v5 =	vld.idx.msk [tilespmem:v39+s2+$0x0], $0xffff  }
0x58: {  	v27 =	vld [tilespmem:s18+$0xC30];
	v11 =	vadd.s32 $0x280, v3;
	v1 =	vadd.f32 v1, v4  }
0x59: {  	v31 =	vld [tilespmem:s18+$0xC20];
	v41 =	vadd.s32 $0x280, v2  }
0x5a: {  	v14 =	vld [tilespmem:s17+$0x2000];
	[tilespmem:s17+$0x1C00] =	vst v1;
	v1 =	vadd.f32 v12, v9;
	v9 =	vadd.s32 $0x300, v17  }
0x5b: {  	v15 =	vld [tilespmem:s17+$0x2020];
	v0 =	vadd.f32 v13, v0  }
0x5c: {  	v8 =	vld.idx.msk [tilespmem:v8+s2+$0x0], $0xffff;
	[tilespmem:s17+$0x1C10] =	vst v1;
	v5 =	vadd.f32 v10, v5  }
0x5d: {  	[tilespmem:s17+$0x1C20] =	vst v0;
	v10 =	vld.idx.msk [tilespmem:v11+s2+$0x0], $0xffff  }
0x5e: {  	v0 =	vld.idx.msk [tilespmem:v41+s2+$0x0], $0xffff;
	[tilespmem:s17+$0x2030] =	vst v5  }
0x5f: {  	v42 =	vadd.s32 $0x300, v6;
	v5 =	vld.idx.msk [tilespmem:v9+s2+$0x0], $0xffff  }
0x60: {  	v11 =	vadd.s32 $0x300, v3;
	v9 =	vld [tilespmem:s17+$0x2430]  }
0x61: {  	v57 =	vld [tilespmem:s18+$0x1020];
	v13 =	vadd.s32 $0x300, v2;
	v8 =	vadd.f32 v14, v8  }
0x62: {  	v60 =	vld [tilespmem:s18+$0x1800];
	v7 =	vadd.f32 v40, v10  }
0x63: {  	v1 =	vld [tilespmem:s17+$0x2420];
	v0 =	vadd.f32 v15, v0;
	[tilespmem:s17+$0x2000] =	vst v8;
	v8 =	vadd.s32 $0x380, v17  }
0x64: {  	v4 =	vld.idx.msk [tilespmem:v42+s2+$0x0], $0xffff;
	[tilespmem:s17+$0x2010] =	vst v7  }
0x65: {  	[tilespmem:s17+$0x2020] =	vst v0;
	v5 =	vadd.f32 v9, v5;
	v7 =	vld.idx.msk [tilespmem:v11+s2+$0x0], $0xffff  }
0x66: {  	v0 =	vld.idx.msk [tilespmem:v13+s2+$0x0], $0xffff  }
0x67: {  	v43 =	vadd.s32 $0x380, v6;
	v9 =	vld [tilespmem:s17+$0x2830];
	[tilespmem:s17+$0x2430] =	vst v5  }
0x68: {  	v11 =	vadd.s32 $0x380, v3;
	v8 =	vld.idx.msk [tilespmem:v8+s2+$0x0], $0xffff  }
0x69: {  	v62 =	vld [tilespmem:s18+$0x1C10];
	v15 =	vadd.s32 $0x380, v2;
	v4 =	vadd.f32 v16, v4  }
0x6a: {  	v12 =	vld [tilespmem:s17+$0x2800];
	v7 =	vadd.f32 v18, v7  }
0x6b: {  	v44 =	vadd.s32 $0x400, v17;
	v14 =	vld [tilespmem:s17+$0x2810];
	v0 =	vadd.f32 v1, v0;
	[tilespmem:s17+$0x2400] =	vst v4  }
0x6c: {  	v5 =	vld.idx.msk [tilespmem:v43+s2+$0x0], $0xffff;
	[tilespmem:s17+$0x2410] =	vst v7  }
0x6d: {  	[tilespmem:s17+$0x2420] =	vst v0;
	v45 =	vadd.f32 v9, v8;
	v8 =	vld.idx.msk [tilespmem:v11+s2+$0x0], $0xffff  }
0x6e: {  	v0 =	vld.idx.msk [tilespmem:v15+s2+$0x0], $0xffff  }
0x6f: {  	v46 =	vadd.s32 $0x400, v6;
	v9 =	vld [tilespmem:s17+$0x2C30];
	[tilespmem:s17+$0x2830] =	vst v45  }
0x70: {  	v11 =	vadd.s32 $0x400, v3;
	v4 =	vld.idx.msk [tilespmem:v44+s2+$0x0], $0xffff  }
0x71: {  	v10 =	vld [tilespmem:s17+$0x2C00];
	v5 =	vadd.f32 v12, v5;
	v12 =	vadd.s32 $0x400, v2  }
0x72: {  	v13 =	vld [tilespmem:s17+$0x2C10];
	v47 =	vadd.f32 v14, v8  }
0x73: {  	v18 =	vld [tilespmem:s17+$0x2C20];
	v8 =	vadd.s32 $0x480, v17;
	v0 =	vadd.f32 v19, v0;
	[tilespmem:s17+$0x2800] =	vst v5  }
0x74: {  	v7 =	vld.idx.msk [tilespmem:v46+s2+$0x0], $0xffff;
	[tilespmem:s17+$0x2810] =	vst v47  }
0x75: {  	[tilespmem:s17+$0x2820] =	vst v0;
	v4 =	vadd.f32 v9, v4;
	v9 =	vld.idx.msk [tilespmem:v11+s2+$0x0], $0xffff  }
0x76: {  	v0 =	vld.idx.msk [tilespmem:v12+s2+$0x0], $0xffff  }
0x77: {  	v49 =	vadd.s32 $0x480, v6;
	v11 =	vld [tilespmem:s17+$0x3030];
	[tilespmem:s17+$0x2C30] =	vst v4  }
0x78: {  	v12 =	vadd.s32 $0x480, v3;
	v8 =	vld.idx.msk [tilespmem:v8+s2+$0x0], $0xffff  }
0x79: {  	v16 =	vld [tilespmem:s17+$0x3000];
	v7 =	vadd.f32 v10, v7;
	v10 =	vadd.s32 $0x480, v2  }
0x7a: {  	v1 =	vld [tilespmem:s17+$0x3010];
	v50 =	vadd.f32 v13, v9  }
0x7b: {  	v15 =	vld [tilespmem:s17+$0x3020];
	v9 =	vadd.s32 $0x500, v17;
	[tilespmem:s17+$0x2C00] =	vst v7;
	v0 =	vadd.f32 v18, v0  }
0x7c: {  	v4 =	vld.idx.msk [tilespmem:v49+s2+$0x0], $0xffff;
	[tilespmem:s17+$0x2C10] =	vst v50  }
0x7d: {  	v51 =	vadd.f32 v11, v8;
	v8 =	vld.idx.msk [tilespmem:v12+s2+$0x0], $0xffff;
	[tilespmem:s17+$0x2C20] =	vst v0  }
0x7e: {  	v0 =	vld.idx.msk [tilespmem:v10+s2+$0x0], $0xffff  }
0x7f: {  	v52 =	vadd.s32 $0x500, v6;
	v10 =	vld [tilespmem:s17+$0x3430];
	[tilespmem:s17+$0x3030] =	vst v51  }
0x80: {  	v11 =	vadd.s32 $0x500, v3;
	v9 =	vld.idx.msk [tilespmem:v9+s2+$0x0], $0xffff  }
0x81: {  	v63 =	vld [tilespmem:s18+$0x2000];
	v4 =	vadd.f32 v16, v4  }
0x82: {  	v41 =	vld [tilespmem:s18+$0x2020];
	v16 =	vadd.s32 $0x500, v2;
	v1 =	vadd.f32 v1, v8  }
0x83: {  	v53 =	vadd.s32 $0x580, v17;
	v43 =	vld [tilespmem:s18+$0x2800];
	[tilespmem:s17+$0x3000] =	vst v4  }
0x84: {  	v0 =	vadd.f32 v15, v0;
	v7 =	vld.idx.msk [tilespmem:v52+s2+$0x0], $0xffff;
	[tilespmem:s17+$0x3010] =	vst v1  }
0x85: {  	v9 =	vadd.f32 v10, v9;
	v10 =	vld.idx.msk [tilespmem:v11+s2+$0x0], $0xffff  }
0x86: {  	[tilespmem:s17+$0x3020] =	vst v0;
	v11 =	vld [tilespmem:s17+$0x3830]  }
0x87: {  	v0 =	vld.idx.msk [tilespmem:v16+s2+$0x0], $0xffff;
	[tilespmem:s17+$0x3430] =	vst v9  }
0x88: {  	v9 =	vadd.s32 $0x580, v6;
	v4 =	vld.idx.msk [tilespmem:v53+s2+$0x0], $0xffff  }
0x89: {  	v45 =	vld [tilespmem:s17+$0x5420];
	v15 =	vadd.s32 $0x580, v3  }
0x8a: {  	v44 =	vld [tilespmem:s18+$0x2820];
	v18 =	vadd.s32 $0x580, v2;
	v7 =	vadd.f32 v20, v7  }
0x8b: {  	v14 =	vld [tilespmem:s17+$0x3800];
	v54 =	vadd.f32 v21, v10;
	v10 =	vadd.s32 $0x600, v17  }
0x8c: {  	v19 =	vld [tilespmem:s17+$0x3810];
	[tilespmem:s17+$0x3400] =	vst v7;
	v0 =	vadd.f32 v48, v0  }
0x8d: {  	v9 =	vld.idx.msk [tilespmem:v9+s2+$0x0], $0xffff;
	[tilespmem:s17+$0x3410] =	vst v54;
	v4 =	vadd.f32 v11, v4  }
0x8e: {  	v55 =	vld.idx.msk [tilespmem:v15+s2+$0x0], $0xffff;
	[tilespmem:s17+$0x3420] =	vst v0  }
0x8f: {  	v0 =	vld.idx.msk [tilespmem:v18+s2+$0x0], $0xffff;
	[tilespmem:s17+$0x3830] =	vst v4  }
0x90: {  	v56 =	vadd.s32 $0x600, v6;
	v4 =	vld.idx.msk [tilespmem:v10+s2+$0x0], $0xffff  }
0x91: {  	v11 =	vadd.s32 $0x600, v3;
	v10 =	vld [tilespmem:s17+$0x3C30]  }
0x92: {  	v13 =	vld [tilespmem:s17+$0x3C00];
	v9 =	vadd.f32 v14, v9  }
0x93: {  	v12 =	vld [tilespmem:s17+$0x3C10];
	v15 =	vadd.s32 $0x600, v2;
	v14 =	vadd.f32 v19, v55  }
0x94: {  	v8 =	vld [tilespmem:s17+$0x3C20];
	v19 =	vadd.s32 $0x680, v17;
	[tilespmem:s17+$0x3800] =	vst v9  }
0x95: {  	v0 =	vadd.f32 v22, v0;
	v7 =	vld.idx.msk [tilespmem:v56+s2+$0x0], $0xffff;
	[tilespmem:s17+$0x3810] =	vst v14  }
0x96: {  	v4 =	vadd.f32 v10, v4;
	v9 =	vld.idx.msk [tilespmem:v11+s2+$0x0], $0xffff  }
0x97: {  	v14 =	vld [tilespmem:s17+$0x4030];
	[tilespmem:s17+$0x3820] =	vst v0  }
0x98: {  	v10 =	vadd.s32 $0x680, v6;
	v0 =	vld.idx.msk [tilespmem:v15+s2+$0x0], $0xffff;
	[tilespmem:s17+$0x3C30] =	vst v4  }
0x99: {  	v15 =	vadd.s32 $0x680, v3;
	v11 =	vld.idx.msk [tilespmem:v19+s2+$0x0], $0xffff  }
0x9a: {  	v5 =	vld [tilespmem:s17+$0x4820];
	v13 =	vadd.f32 v13, v7  }
0x9b: {  	v46 =	vld [tilespmem:s18+$0x2C00];
	v19 =	vadd.s32 $0x680, v2;
	v9 =	vadd.f32 v12, v9  }
0x9c: {  	v1 =	vld [tilespmem:s17+$0x4010];
	v12 =	vadd.s32 $0x700, v17;
	[tilespmem:s17+$0x3C00] =	vst v13  }
0x9d: {  	v8 =	vadd.f32 v8, v0;
	v10 =	vld.idx.msk [tilespmem:v10+s2+$0x0], $0xffff;
	[tilespmem:s17+$0x3C10] =	vst v9  }
0x9e: {  	v9 =	vadd.f32 v14, v11;
	v11 =	vld.idx.msk [tilespmem:v15+s2+$0x0], $0xffff  }
0x9f: {  	v16 =	vld [tilespmem:s17+$0x4020];
	[tilespmem:s17+$0x3C20] =	vst v8  }
0xa0: {  	v8 =	vadd.s32 $0x700, v6;
	v13 =	vld.idx.msk [tilespmem:v19+s2+$0x0], $0xffff;
	[tilespmem:s17+$0x4030] =	vst v9  }
0xa1: {  	v9 =	vld.idx.msk [tilespmem:v12+s2+$0x0], $0xffff;
	v12 =	vadd.s32 $0x700, v3  }
0xa2: {  	v14 =	vld [tilespmem:s17+$0x4430];
	v10 =	vadd.f32 v23, v10  }
0xa3: {  	v49 =	vld [tilespmem:s18+$0x3000];
	v1 =	vadd.f32 v1, v11  }
0xa4: {  	v20 =	vld [tilespmem:s17+$0x4400];
	v15 =	vadd.s32 $0x700, v2;
	[tilespmem:s17+$0x4000] =	vst v10  }
0xa5: {  	v11 =	vadd.s32 $0x780, v17;
	v8 =	vld.idx.msk [tilespmem:v8+s2+$0x0], $0xffff;
	[tilespmem:s17+$0x4010] =	vst v1  }
0xa6: {  	v10 =	vadd.f32 v16, v13;
	v1 =	vld.idx.msk [tilespmem:v12+s2+$0x0], $0xffff  }
0xa7: {  	v21 =	vld [tilespmem:s17+$0x4420];
	v9 =	vadd.f32 v14, v9  }
0xa8: {  	v19 =	vld [tilespmem:s17+$0x4830];
	[tilespmem:s17+$0x4020] =	vst v10  }
0xa9: {  	v10 =	vadd.s32 $0x780, v6;
	v12 =	vld.idx.msk [tilespmem:v15+s2+$0x0], $0xffff;
	[tilespmem:s17+$0x4430] =	vst v9  }
0xaa: {  	v11 =	vld.idx.msk [tilespmem:v11+s2+$0x0], $0xffff;
	v8 =	vadd.f32 v20, v8  }
0xab: {  	v51 =	vld [tilespmem:s18+$0x3020];
	v1 =	vadd.f32 v24, v1  }
0xac: {  	v52 =	vld [tilespmem:s18+$0x3410];
	[tilespmem:s17+$0x4400] =	vst v8  }
0xad: {  	v48 =	vld [tilespmem:s18+$0x2C10];
	[tilespmem:s17+$0x4410] =	vst v1;
	v1 =	vadd.s32 $0x800, v17  }
0xae: {  	v8 =	vld.idx.msk [tilespmem:v10+s2+$0x0], $0xffff;
	v10 =	vadd.f32 v21, v12  }
0xaf: {  	v18 =	vld [tilespmem:s17+$0x4810];
	v11 =	vadd.f32 v19, v11  }
0xb0: {  	v55 =	vld [tilespmem:s18+$0x3800];
	[tilespmem:s17+$0x4420] =	vst v10  }
0xb1: {  	v19 =	vld [tilespmem:s17+$0x4C30];
	v10 =	vadd.s32 $0x800, v6;
	[tilespmem:s17+$0x4830] =	vst v11  }
0xb2: {  	v11 =	vld.idx.msk [tilespmem:v1+s2+$0x0], $0xffff  }
0xb3: {  	v12 =	vadd.f32 v25, v8;
	v1 =	vld [tilespmem:s18+$0x5830]  }
0xb4: {  	v56 =	vld [tilespmem:s18+$0x3820]  }
0xb5: {  	v23 =	vadd.s32 $0x880, v17;
	[tilespmem:s17+$0x4800] =	vst v12;
	v12 =	vld [tilespmem:s18+$0x5800]  }
0xb6: {  	v20 =	vld.idx.msk [tilespmem:v10+s2+$0x0], $0xffff  }
0xb7: {  	v10 =	vld [tilespmem:s18+$0x5810];
	v19 =	vadd.f32 v19, v11  }
0xb8: {  	v24 =	vld [tilespmem:s18+$0xC00]  }
0xb9: {  	v11 =	vld [tilespmem:s18+$0x5820];
	[tilespmem:s17+$0x4C30] =	vst v19  }
0xba: {  	v19 =	vld.idx.msk [tilespmem:v23+s2+$0x0], $0xffff  }
0xbb: {  	v26 =	vld.idx.msk [tilespmem:v1+s2+$0x0], $0xffff  }
0xbc: {  	v23 =	vld [tilespmem:s17+$0x5030]  }
0xbd: {  	v28 =	vld.idx.msk [tilespmem:v12+s2+$0x0], $0xffff  }
0xbe: {  	v25 =	vld [tilespmem:s18+$0xC10];
	v30 =	vadd.s32 $0x80, v1  }
0xbf: {  	v29 =	vld.idx.msk [tilespmem:v10+s2+$0x0], $0xffff  }
0xc0: {  	v4 =	vld [tilespmem:s17+$0x4C00];
	v26 =	vadd.f32 v27, v26  }
0xc1: {  	v32 =	vadd.s32 $0x80, v12;
	v19 =	vadd.f32 v23, v19;
	v23 =	vld.idx.msk [tilespmem:v11+s2+$0x0], $0xffff  }
0xc2: {  	v7 =	vld [tilespmem:s17+$0x4C10];
	v27 =	vadd.s32 $0x80, v10;
	v24 =	vadd.f32 v24, v28;
	[tilespmem:s18+$0xC30] =	vst v26  }
0xc3: {  	v26 =	vld.idx.msk [tilespmem:v30+s2+$0x0], $0xffff  }
0xc4: {  	v33 =	vadd.s32 $0x80, v11;
	v25 =	vadd.f32 v25, v29;
	[tilespmem:s18+$0xC00] =	vst v24;
	v24 =	vld [tilespmem:s18+$0x1030]  }
0xc5: {  	v28 =	vld [tilespmem:s18+$0x1000]  }
0xc6: {  	v23 =	vadd.f32 v31, v23;
	v29 =	vld.idx.msk [tilespmem:v32+s2+$0x0], $0xffff;
	[tilespmem:s18+$0xC10] =	vst v25  }
0xc7: {  	v25 =	vld.idx.msk [tilespmem:v27+s2+$0x0], $0xffff;
	v27 =	vadd.s32 $0x100, v1  }
0xc8: {  	v30 =	vld [tilespmem:s18+$0x1010];
	[tilespmem:s18+$0xC20] =	vst v23  }
0xc9: {  	v23 =	vld.idx.msk [tilespmem:v33+s2+$0x0], $0xffff;
	v24 =	vadd.f32 v24, v26  }
0xca: {  	v0 =	vld [tilespmem:s17+$0x4C20];
	v31 =	vadd.s32 $0x100, v12  }
0xcb: {  	v26 =	vld [tilespmem:s18+$0x1400];
	v28 =	vadd.f32 v28, v29;
	[tilespmem:s18+$0x1030] =	vst v24  }
0xcc: {  	v58 =	vadd.s32 $0x100, v10;
	v27 =	vld.idx.msk [tilespmem:v27+s2+$0x0], $0xffff  }
0xcd: {  	v24 =	vadd.s32 $0x100, v11;
	v25 =	vadd.f32 v30, v25;
	[tilespmem:s18+$0x1000] =	vst v28;
	v28 =	vld [tilespmem:s18+$0x1430]  }
0xce: {  	v29 =	vld [tilespmem:s18+$0x1410];
	v23 =	vadd.f32 v57, v23  }
0xcf: {  	v30 =	vld.idx.msk [tilespmem:v31+s2+$0x0], $0xffff;
	[tilespmem:s18+$0x1010] =	vst v25  }
0xd0: {  	v25 =	vld [tilespmem:s18+$0x1420];
	[tilespmem:s18+$0x1020] =	vst v23;
	v23 =	vadd.s32 $0x180, v1  }
0xd1: {  	v31 =	vld.idx.msk [tilespmem:v58+s2+$0x0], $0xffff  }
0xd2: {  	v24 =	vld.idx.msk [tilespmem:v24+s2+$0x0], $0xffff;
	v27 =	vadd.f32 v28, v27  }
0xd3: {  	v13 =	vld [tilespmem:s17+$0x5020]  }
0xd4: {  	v14 =	vld [tilespmem:s17+$0x5010];
	v59 =	vadd.s32 $0x180, v12;
	v26 =	vadd.f32 v26, v30;
	[tilespmem:s18+$0x1430] =	vst v27  }
0xd5: {  	v34 =	vadd.s32 $0x180, v10;
	v23 =	vld.idx.msk [tilespmem:v23+s2+$0x0], $0xffff  }
0xd6: {  	v27 =	vadd.s32 $0x180, v11;
	[tilespmem:s18+$0x1400] =	vst v26;
	v26 =	vadd.f32 v29, v31;
	v29 =	vld [tilespmem:s18+$0x1830]  }
0xd7: {  	v28 =	vld [tilespmem:s18+$0x1810];
	v24 =	vadd.f32 v25, v24  }
0xd8: {  	v9 =	vadd.s32 $0x780, v3;
	v30 =	vld [tilespmem:s18+$0x1820];
	[tilespmem:s18+$0x1410] =	vst v26  }
0xd9: {  	v31 =	vld.idx.msk [tilespmem:v59+s2+$0x0], $0xffff;
	[tilespmem:s18+$0x1420] =	vst v24;
	v24 =	vadd.s32 $0x200, v1  }
0xda: {  	v26 =	vld.idx.msk [tilespmem:v34+s2+$0x0], $0xffff  }
0xdb: {  	v27 =	vld.idx.msk [tilespmem:v27+s2+$0x0], $0xffff;
	v23 =	vadd.f32 v29, v23  }
0xdc: {  	v15 =	vld [tilespmem:s17+$0x5000];
	v61 =	vadd.s32 $0x200, v12  }
0xdd: {  	v22 =	vld.idx.msk [tilespmem:v9+s2+$0x0], $0xffff;
	[tilespmem:s18+$0x1830] =	vst v23  }
0xde: {  	v35 =	vadd.s32 $0x200, v10;
	v31 =	vadd.f32 v60, v31;
	v24 =	vld.idx.msk [tilespmem:v24+s2+$0x0], $0xffff  }
0xdf: {  	v23 =	vadd.s32 $0x200, v11;
	v26 =	vadd.f32 v28, v26;
	v28 =	vld [tilespmem:s18+$0x1C30]  }
0xe0: {  	v25 =	vld [tilespmem:s18+$0x1C00];
	[tilespmem:s18+$0x1800] =	vst v31;
	v27 =	vadd.f32 v30, v27  }
0xe1: {  	v16 =	vadd.s32 $0x780, v2;
	v31 =	vld.idx.msk [tilespmem:v61+s2+$0x0], $0xffff;
	[tilespmem:s18+$0x1810] =	vst v26  }
0xe2: {  	v29 =	vld [tilespmem:s18+$0x1C20];
	[tilespmem:s18+$0x1820] =	vst v27;
	v27 =	vadd.s32 $0x280, v1  }
0xe3: {  	v30 =	vld.idx.msk [tilespmem:v35+s2+$0x0], $0xffff  }
0xe4: {  	v23 =	vld.idx.msk [tilespmem:v23+s2+$0x0], $0xffff;
	v24 =	vadd.f32 v28, v24  }
0xe5: {  	v9 =	vld [tilespmem:s17+$0x5400]  }
0xe6: {  	v21 =	vld.idx.msk [tilespmem:v16+s2+$0x0], $0xffff;
	v40 =	vadd.s32 $0x280, v12;
	v25 =	vadd.f32 v25, v31;
	[tilespmem:s18+$0x1C30] =	vst v24  }
0xe7: {  	v36 =	vadd.s32 $0x280, v10;
	v27 =	vld.idx.msk [tilespmem:v27+s2+$0x0], $0xffff  }
0xe8: {  	v24 =	vadd.s32 $0x280, v11;
	[tilespmem:s18+$0x1C00] =	vst v25;
	v25 =	vadd.f32 v62, v30;
	v30 =	vld [tilespmem:s18+$0x2030]  }
0xe9: {  	v8 =	vld [tilespmem:s17+$0x5410];
	v23 =	vadd.f32 v29, v23  }
0xea: {  	v26 =	vld [tilespmem:s18+$0x2010];
	[tilespmem:s18+$0x1C10] =	vst v25  }
0xeb: {  	v32 =	vld.idx.msk [tilespmem:v40+s2+$0x0], $0xffff;
	[tilespmem:s18+$0x1C20] =	vst v23;
	v23 =	vadd.s32 $0x300, v1  }
0xec: {  	v29 =	vld.idx.msk [tilespmem:v36+s2+$0x0], $0xffff  }
0xed: {  	v24 =	vld.idx.msk [tilespmem:v24+s2+$0x0], $0xffff;
	v27 =	vadd.f32 v30, v27  }
0xee: {  	v42 =	vadd.s32 $0x300, v12;
	[tilespmem:s17+$0x5030] =	vst v19;
	v19 =	vld [tilespmem:s17+$0x5430]  }
0xef: {  	v28 =	vld [tilespmem:s18+$0x2400];
	[tilespmem:s18+$0x2030] =	vst v27  }
0xf0: {  	v37 =	vadd.s32 $0x300, v10;
	v32 =	vadd.f32 v63, v32;
	v23 =	vld.idx.msk [tilespmem:v23+s2+$0x0], $0xffff  }
0xf1: {  	v27 =	vadd.s32 $0x300, v11;
	v26 =	vadd.f32 v26, v29;
	v29 =	vld [tilespmem:s18+$0x2430]  }
0xf2: {  	v17 =	vadd.s32 $0x900, v17;
	v31 =	vld [tilespmem:s18+$0x2410];
	[tilespmem:s18+$0x2000] =	vst v32;
	v24 =	vadd.f32 v41, v24  }
0xf3: {  	v32 =	vld.idx.msk [tilespmem:v42+s2+$0x0], $0xffff;
	[tilespmem:s18+$0x2010] =	vst v26  }
0xf4: {  	v25 =	vld [tilespmem:s18+$0x2420];
	[tilespmem:s18+$0x2020] =	vst v24;
	v24 =	vadd.s32 $0x380, v1  }
0xf5: {  	v26 =	vld.idx.msk [tilespmem:v37+s2+$0x0], $0xffff  }
0xf6: {  	v27 =	vld.idx.msk [tilespmem:v27+s2+$0x0], $0xffff;
	v23 =	vadd.f32 v29, v23  }
0xf7: {  	v47 =	vadd.s32 $0x380, v12;
	v17 =	vld.idx.msk [tilespmem:v17+s2+$0x0], $0xffff  }
0xf8: {  	v57 =	vld [tilespmem:s18+$0x3030];
	v28 =	vadd.f32 v28, v32;
	[tilespmem:s18+$0x2430] =	vst v23  }
0xf9: {  	v38 =	vadd.s32 $0x380, v10;
	v24 =	vld.idx.msk [tilespmem:v24+s2+$0x0], $0xffff  }
0xfa: {  	v23 =	vadd.s32 $0x380, v11;
	v26 =	vadd.f32 v31, v26;
	[tilespmem:s18+$0x2400] =	vst v28;
	v28 =	vld [tilespmem:s18+$0x2830]  }
0xfb: {  	v59 =	vld [tilespmem:s18+$0x3C10];
	v25 =	vadd.f32 v25, v27  }
0xfc: {  	v31 =	vld.idx.msk [tilespmem:v47+s2+$0x0], $0xffff;
	[tilespmem:s18+$0x2410] =	vst v26  }
0xfd: {  	v30 =	vld [tilespmem:s18+$0x2810];
	[tilespmem:s18+$0x2420] =	vst v25;
	v25 =	vadd.s32 $0x400, v1  }
0xfe: {  	v27 =	vld.idx.msk [tilespmem:v38+s2+$0x0], $0xffff  }
0xff: {  	v50 =	vadd.s32 $0x400, v12;
	v23 =	vld.idx.msk [tilespmem:v23+s2+$0x0], $0xffff;
	v24 =	vadd.f32 v28, v24  }
0x100: {  	v62 =	vld [tilespmem:s18+$0x4020]  }
0x101: {  	v39 =	vadd.s32 $0x400, v10;
	v63 =	vld [tilespmem:s18+$0x4410];
	v31 =	vadd.f32 v43, v31;
	[tilespmem:s18+$0x2830] =	vst v24  }
0x102: {  	v24 =	vadd.s32 $0x400, v11;
	v25 =	vld.idx.msk [tilespmem:v25+s2+$0x0], $0xffff  }
0x103: {  	[tilespmem:s18+$0x2800] =	vst v31;
	v27 =	vadd.f32 v30, v27;
	v30 =	vld [tilespmem:s18+$0x2C30]  }
0x104: {  	v31 =	vld.idx.msk [tilespmem:v50+s2+$0x0], $0xffff;
	v23 =	vadd.f32 v44, v23  }
0x105: {  	v29 =	vld [tilespmem:s18+$0x2C20];
	[tilespmem:s18+$0x2810] =	vst v27  }
0x106: {  	v53 =	vld.idx.msk [tilespmem:v39+s2+$0x0], $0xffff;
	[tilespmem:s18+$0x2820] =	vst v23;
	v23 =	vadd.s32 $0x480, v1  }
0x107: {  	v24 =	vld.idx.msk [tilespmem:v24+s2+$0x0], $0xffff  }
0x108: {  	v54 =	vadd.s32 $0x480, v12;
	v41 =	vld [tilespmem:s18+$0x3C20];
	v25 =	vadd.f32 v30, v25  }
0x109: {  	v26 =	vld [tilespmem:s18+$0x3010];
	v31 =	vadd.f32 v46, v31  }
0x10a: {  	v40 =	vadd.s32 $0x480, v10;
	v28 =	vld [tilespmem:s18+$0x3400];
	[tilespmem:s18+$0x2C30] =	vst v25  }
0x10b: {  	v25 =	vadd.s32 $0x480, v11;
	v23 =	vld.idx.msk [tilespmem:v23+s2+$0x0], $0xffff;
	[tilespmem:s18+$0x2C00] =	vst v31;
	v31 =	vadd.f32 v48, v53  }
0x10c: {  	v43 =	vld [tilespmem:s18+$0x4810];
	v24 =	vadd.f32 v29, v24  }
0x10d: {  	v35 =	vld.idx.msk [tilespmem:v54+s2+$0x0], $0xffff;
	[tilespmem:s18+$0x2C10] =	vst v31  }
0x10e: {  	v44 =	vld [tilespmem:s18+$0x4420];
	[tilespmem:s18+$0x2C20] =	vst v24;
	v24 =	vadd.s32 $0x500, v1  }
0x10f: {  	v31 =	vld.idx.msk [tilespmem:v40+s2+$0x0], $0xffff  }
0x110: {  	v58 =	vadd.s32 $0x500, v12;
	v25 =	vld.idx.msk [tilespmem:v25+s2+$0x0], $0xffff;
	v23 =	vadd.f32 v57, v23  }
0x111: {  	v27 =	vld [tilespmem:s18+$0x3420]  }
0x112: {  	v60 =	vadd.s32 $0x500, v10;
	v30 =	vld [tilespmem:s18+$0x3810];
	v32 =	vadd.f32 v49, v35;
	[tilespmem:s18+$0x3030] =	vst v23  }
0x113: {  	v23 =	vadd.s32 $0x500, v11;
	v24 =	vld.idx.msk [tilespmem:v24+s2+$0x0], $0xffff  }
0x114: {  	v26 =	vadd.f32 v26, v31;
	[tilespmem:s18+$0x3000] =	vst v32;
	v31 =	vld [tilespmem:s18+$0x3430]  }
0x115: {  	v32 =	vld.idx.msk [tilespmem:v58+s2+$0x0], $0xffff;
	v25 =	vadd.f32 v51, v25  }
0x116: {  	v46 =	vld [tilespmem:s18+$0x4C10];
	[tilespmem:s18+$0x3010] =	vst v26  }
0x117: {  	v33 =	vld.idx.msk [tilespmem:v60+s2+$0x0], $0xffff;
	[tilespmem:s18+$0x3020] =	vst v25;
	v25 =	vadd.s32 $0x580, v1  }
0x118: {  	v23 =	vld.idx.msk [tilespmem:v23+s2+$0x0], $0xffff  }
0x119: {  	v48 =	vld [tilespmem:s18+$0x3830];
	v24 =	vadd.f32 v31, v24  }
0x11a: {  	v61 =	vadd.s32 $0x580, v12;
	v29 =	vld [tilespmem:s18+$0x3C00];
	v28 =	vadd.f32 v28, v32  }
0x11b: {  	v42 =	vadd.s32 $0x580, v10;
	v40 =	vld [tilespmem:s18+$0x4C20];
	[tilespmem:s18+$0x3430] =	vst v24  }
0x11c: {  	v24 =	vadd.s32 $0x580, v11;
	v25 =	vld.idx.msk [tilespmem:v25+s2+$0x0], $0xffff;
	[tilespmem:s18+$0x3400] =	vst v28;
	v28 =	vadd.f32 v52, v33  }
0x11d: {  	v35 =	vld [tilespmem:s18+$0x4000];
	v23 =	vadd.f32 v27, v23  }
0x11e: {  	v51 =	vld [tilespmem:s18+$0x4800];
	[tilespmem:s18+$0x3410] =	vst v28  }
0x11f: {  	v49 =	vld.idx.msk [tilespmem:v61+s2+$0x0], $0xffff;
	[tilespmem:s18+$0x3420] =	vst v23;
	v23 =	vadd.s32 $0x600, v1  }
0x120: {  	v28 =	vld.idx.msk [tilespmem:v42+s2+$0x0], $0xffff  }
0x121: {  	v24 =	vld.idx.msk [tilespmem:v24+s2+$0x0], $0xffff;
	v25 =	vadd.f32 v48, v25  }
0x122: {  	v50 =	vadd.s32 $0x600, v12;
	v26 =	vld [tilespmem:s18+$0x4010]  }
0x123: {  	v18 =	vadd.f32 v18, v22;
	v53 =	vadd.s32 $0x600, v10;
	v31 =	vld [tilespmem:s18+$0x4400];
	[tilespmem:s18+$0x3830] =	vst v25  }
0x124: {  	v22 =	vadd.s32 $0x600, v11;
	v36 =	vadd.f32 v55, v49;
	v23 =	vld.idx.msk [tilespmem:v23+s2+$0x0], $0xffff  }
0x125: {  	[tilespmem:s17+$0x4810] =	vst v18;
	v28 =	vadd.f32 v30, v28;
	v30 =	vld [tilespmem:s18+$0x3C30]  }
0x126: {  	v52 =	vadd.s32 $0x800, v3;
	v33 =	vld [tilespmem:s18+$0x4C00];
	[tilespmem:s18+$0x3800] =	vst v36;
	v18 =	vadd.f32 v56, v24  }
0x127: {  	v24 =	vld.idx.msk [tilespmem:v50+s2+$0x0], $0xffff;
	[tilespmem:s18+$0x3810] =	vst v28  }
0x128: {  	v28 =	vld.idx.msk [tilespmem:v53+s2+$0x0], $0xffff;
	[tilespmem:s18+$0x3820] =	vst v18;
	v18 =	vadd.s32 $0x680, v1  }
0x129: {  	v22 =	vld.idx.msk [tilespmem:v22+s2+$0x0], $0xffff  }
0x12a: {  	v27 =	vld [tilespmem:s18+$0x5000];
	v55 =	vadd.s32 $0x680, v12;
	v23 =	vadd.f32 v30, v23  }
0x12b: {  	v5 =	vadd.f32 v5, v21;
	v54 =	vadd.s32 $0x800, v2;
	v21 =	vld.idx.msk [tilespmem:v52+s2+$0x0], $0xffff  }
0x12c: {  	v56 =	vadd.s32 $0x680, v10;
	v24 =	vadd.f32 v29, v24;
	v29 =	vld [tilespmem:s18+$0x4030];
	[tilespmem:s18+$0x3C30] =	vst v23  }
0x12d: {  	[tilespmem:s17+$0x4820] =	vst v5;
	v16 =	vadd.s32 $0x680, v11;
	v18 =	vld.idx.msk [tilespmem:v18+s2+$0x0], $0xffff;
	v28 =	vadd.f32 v59, v28  }
0x12e: {  	v25 =	vld [tilespmem:s18+$0x4820];
	[tilespmem:s18+$0x3C00] =	vst v24;
	v22 =	vadd.f32 v41, v22  }
0x12f: {  	v24 =	vadd.s32 $0x880, v6;
	v34 =	vld.idx.msk [tilespmem:v55+s2+$0x0], $0xffff;
	[tilespmem:s18+$0x3C10] =	vst v28  }
0x130: {  	v20 =	vadd.f32 v4, v20;
	v30 =	vld.idx.msk [tilespmem:v54+s2+$0x0], $0xffff;
	[tilespmem:s18+$0x3C20] =	vst v22;
	v22 =	vadd.s32 $0x700, v1  }
0x131: {  	v7 =	vadd.f32 v7, v21;
	v21 =	vld.idx.msk [tilespmem:v56+s2+$0x0], $0xffff  }
0x132: {  	[tilespmem:s17+$0x4C00] =	vst v20;
	v20 =	vld.idx.msk [tilespmem:v16+s2+$0x0], $0xffff;
	v59 =	vadd.f32 v29, v18  }
0x133: {  	v23 =	vld [tilespmem:s18+$0x5400];
	v18 =	vadd.s32 $0x700, v12  }
0x134: {  	v57 =	vadd.s32 $0x880, v3;
	v60 =	vld.idx.msk [tilespmem:v24+s2+$0x0], $0xffff;
	v24 =	vadd.f32 v35, v34;
	[tilespmem:s18+$0x4030] =	vst v59  }
0x135: {  	[tilespmem:s17+$0x4C10] =	vst v7;
	v0 =	vadd.f32 v0, v30;
	v16 =	vadd.s32 $0x700, v10;
	v22 =	vld.idx.msk [tilespmem:v22+s2+$0x0], $0xffff  }
0x136: {  	v61 =	vadd.s32 $0x700, v11;
	[tilespmem:s18+$0x4000] =	vst v24;
	v21 =	vadd.f32 v26, v21;
	v24 =	vld [tilespmem:s18+$0x4430]  }
0x137: {  	v28 =	vld [tilespmem:s18+$0x5010];
	[tilespmem:s17+$0x4C20] =	vst v0;
	v20 =	vadd.f32 v62, v20  }
0x138: {  	v58 =	vadd.s32 $0x880, v2;
	v18 =	vld.idx.msk [tilespmem:v18+s2+$0x0], $0xffff;
	[tilespmem:s18+$0x4010] =	vst v21  }
0x139: {  	v0 =	vld.idx.msk [tilespmem:v57+s2+$0x0], $0xffff;
	[tilespmem:s18+$0x4020] =	vst v20;
	v20 =	vadd.s32 $0x780, v1  }
0x13a: {  	v15 =	vadd.f32 v15, v60;
	v21 =	vld.idx.msk [tilespmem:v16+s2+$0x0], $0xffff  }
0x13b: {  	v26 =	vadd.s32 $0x900, v6;
	v62 =	vld.idx.msk [tilespmem:v61+s2+$0x0], $0xffff;
	v22 =	vadd.f32 v24, v22  }
0x13c: {  	v30 =	vld [tilespmem:s18+$0x5020];
	v16 =	vadd.s32 $0x780, v12;
	[tilespmem:s17+$0x5000] =	vst v15  }
0x13d: {  	v29 =	vld.idx.msk [tilespmem:v58+s2+$0x0], $0xffff;
	v24 =	vadd.s32 $0x900, v3;
	v15 =	vadd.f32 v31, v18;
	[tilespmem:s18+$0x4430] =	vst v22  }
0x13e: {  	v0 =	vadd.f32 v14, v0;
	v18 =	vadd.s32 $0x780, v10;
	v20 =	vld.idx.msk [tilespmem:v20+s2+$0x0], $0xffff  }
0x13f: {  	v14 =	vadd.s32 $0x780, v11;
	[tilespmem:s18+$0x4400] =	vst v15;
	v15 =	vadd.f32 v63, v21;
	v21 =	vld [tilespmem:s18+$0x4830]  }
0x140: {  	v2 =	vadd.s32 $0x900, v2;
	[tilespmem:s17+$0x5010] =	vst v0;
	v22 =	vld.idx.msk [tilespmem:v26+s2+$0x0], $0xffff;
	v0 =	vadd.f32 v44, v62  }
0x141: {  	v63 =	vld.idx.msk [tilespmem:v16+s2+$0x0], $0xffff;
	[tilespmem:s18+$0x4410] =	vst v15  }
0x142: {  	v13 =	vadd.f32 v13, v29;
	v15 =	vld.idx.msk [tilespmem:v24+s2+$0x0], $0xffff;
	[tilespmem:s18+$0x4420] =	vst v0;
	v0 =	vadd.s32 $0x800, v1  }
0x143: {  	v17 =	vadd.f32 v19, v17;
	v24 =	vld.idx.msk [tilespmem:v18+s2+$0x0], $0xffff  }
0x144: {  	[tilespmem:s17+$0x5020] =	vst v13;
	v26 =	vadd.s32 $0x800, v12;
	v14 =	vld.idx.msk [tilespmem:v14+s2+$0x0], $0xffff;
	v19 =	vadd.f32 v21, v20  }
0x145: {  	[tilespmem:s17+$0x5430] =	vst v17;
	v18 =	vld.idx.msk [tilespmem:v2+s2+$0x0], $0xffff;
	v17 =	vadd.f32 v9, v22  }
0x146: {  	v29 =	vadd.s32 $0x900, v12;
	v13 =	vadd.s32 $0x800, v10;
	v21 =	vadd.f32 v51, v63;
	[tilespmem:s18+$0x4830] =	vst v19;
	v19 =	vld [tilespmem:s18+$0x5410]  }
0x147: {  	v9 =	vadd.s32 $0x880, v12;
	v12 =	vadd.s32 $0x880, v10;
	[tilespmem:s17+$0x5400] =	vst v17;
	v17 =	vadd.f32 v8, v15;
	v20 =	vld.idx.msk [tilespmem:v0+s2+$0x0], $0xffff  }
0x148: {  	v10 =	vadd.s32 $0x900, v10;
	v15 =	vadd.s32 $0x800, v11;
	[tilespmem:s18+$0x4800] =	vst v21;
	v22 =	vadd.f32 v43, v24;
	v21 =	vld [tilespmem:s18+$0x4C30]  }
0x149: {  	s19 =	simm.s32 $0x4;
	s20 =	simm.s32 $0x400;
	v0 =	vadd.f32 v25, v14;
	v14 =	vadd.s32 $0x880, v11;
	v11 =	vadd.s32 $0x900, v11;
	[tilespmem:s17+$0x5410] =	vst v17;
	v17 =	vld.idx.msk [tilespmem:v26+s2+$0x0], $0xffff  }
.LBB2_2:
0x14a: {  	s21 =	sshra.s32 s20, $0x2;
	v2 =	vld [tilespmem:s18+$0x5420]  }
0x14b: {  	[tilespmem:s18+$0x4810] =	vst v22;
	v22 =	vld [tilespmem:s21+$0x5830];
	v18 =	vadd.f32 v45, v18  }
0x14c: {  	[tilespmem:s18+$0x4820] =	vst v0;
	v25 =	vld [tilespmem:s21+$0x5800]  }
0x14d: {  	v0 =	vadd.s32 $0x880, v1;
	[tilespmem:s17+$0x5420] =	vst v18;
	s17 =	smov.u32 s18;
	s18 =	smov.u32 s21  }
0x14e: {  	v17 =	vadd.f32 v33, v17;
	v16 =	vld [tilespmem:s18+$0x5810]  }
0x14f: {  	[tilespmem:$0x1FF50] =	vst v2;
	v18 =	vadd.f32 v21, v20;
	v21 =	vld [tilespmem:s18+$0x5820]  }
0x150: {  	v2 =	vmov v19;
	v19 =	vld [tilespmem:s18+$0xC00];
	[tilespmem:s17+$0x4C00] =	vst v17  }
0x151: {  	v17 =	vld [tilespmem:s17+$0x5030];
	[tilespmem:s17+$0x4C30] =	vst v18  }
0x152: {  	v18 =	vld.idx.msk [tilespmem:v0+s2+$0x0], $0xffff  }
0x153: {  	[tilespmem:$0x1FFB0] =	vst v29;
	v29 =	vld.idx.msk [tilespmem:v22+s2+$0x0], $0xffff  }
0x154: {  	v32 =	vadd.s32 $0x900, v1;
	v1 =	vmov v22;
	v22 =	vld.idx.msk [tilespmem:v25+s2+$0x0], $0xffff  }
0x155: {  	v31 =	vld [tilespmem:s18+$0xC30]  }
0x156: {  	v24 =	vld [tilespmem:s18+$0xC10]  }
0x157: {  	[tilespmem:$0x1FF80] =	vst v28;
	v35 =	vld [tilespmem:s18+$0xC20];
	v17 =	vadd.f32 v17, v18  }
0x158: {  	[tilespmem:$0x1FF60] =	vst v27;
	v34 =	vadd.s32 $0x80, v1;
	v7 =	vld.idx.msk [tilespmem:v16+s2+$0x0], $0xffff  }
0x159: {  	v19 =	vadd.f32 v19, v22;
	v18 =	vld.idx.msk [tilespmem:v21+s2+$0x0], $0xffff;
	[tilespmem:s17+$0x5030] =	vst v17  }
0x15a: {  	[tilespmem:$0x1FFA0] =	vst v30;
	v17 =	vadd.f32 v31, v29;
	v31 =	vld.idx.msk [tilespmem:v32+s2+$0x0], $0xffff  }
0x15b: {  	v20 =	vadd.s32 $0x80, v25;
	[tilespmem:s18+$0xC00] =	vst v19;
	v32 =	vld [tilespmem:s17+$0x5430]  }
0x15c: {  	v26 =	vadd.s32 $0x80, v16;
	v19 =	vld [tilespmem:s18+$0x1030];
	[tilespmem:s18+$0xC30] =	vst v17  }
0x15d: {  	[tilespmem:$0x1FFD0] =	vst v23;
	v17 =	vadd.f32 v24, v7;
	v24 =	vmov v40;
	v40 =	vld.idx.msk [tilespmem:v34+s2+$0x0], $0xffff  }
0x15e: {  	[tilespmem:$0x1FFE0] =	vst v2;
	v8 =	vadd.s32 $0x800, v25;
	v3 =	vld [tilespmem:s18+$0x1010];
	v30 =	vadd.s32 $0x80, v21  }
0x15f: {  	[tilespmem:$0x1FFF0] =	vst v8;
	v38 =	vld [tilespmem:s18+$0x1000]  }
0x160: {  	v6 =	vadd.s32 $0x100, v1;
	v2 =	vadd.s32 $0x700, v16;
	v28 =	vld.idx.msk [tilespmem:v20+s2+$0x0], $0xffff;
	v18 =	vadd.f32 v35, v18;
	[tilespmem:s18+$0xC10] =	vst v17  }
0x161: {  	[tilespmem:$0x1FF70] =	vst v2;
	v20 =	vadd.f32 v32, v31;
	v5 =	vld.idx.msk [tilespmem:v26+s2+$0x0], $0xffff  }
0x162: {  	v7 =	vld [tilespmem:s18+$0x1020];
	[tilespmem:s18+$0xC20] =	vst v18;
	v32 =	vadd.f32 v19, v40  }
0x163: {  	v4 =	vadd.s32 $0x100, v25;
	v30 =	vld.idx.msk [tilespmem:v30+s2+$0x0], $0xffff;
	[tilespmem:s17+$0x5430] =	vst v20  }
0x164: {  	v8 =	vld [tilespmem:s18+$0x1410];
	v2 =	vadd.s32 $0x700, v21;
	[tilespmem:s18+$0x1030] =	vst v32  }
0x165: {  	v23 =	vadd.s32 $0x100, v16;
	[tilespmem:$0x1FF90] =	vst v2;
	v2 =	vadd.s32 $0x780, v16;
	v39 =	vadd.f32 v38, v28;
	v6 =	vld.idx.msk [tilespmem:v6+s2+$0x0], $0xffff  }
0x166: {  	v27 =	vadd.s32 $0x100, v21;
	[tilespmem:$0x1FFC0] =	vst v2;
	v3 =	vadd.f32 v3, v5;
	v5 =	vld [tilespmem:s18+$0x1430]  }
0x167: {  	v2 =	vld [tilespmem:s18+$0x1400];
	[tilespmem:s18+$0x1000] =	vst v39  }
0x168: {  	v4 =	vld.idx.msk [tilespmem:v4+s2+$0x0], $0xffff;
	v7 =	vadd.f32 v7, v30  }
0x169: {  	v39 =	vadd.s32 $0x180, v1;
	[tilespmem:s18+$0x1010] =	vst v3;
	v3 =	vld [tilespmem:s18+$0x1420]  }
0x16a: {  	[tilespmem:s18+$0x1020] =	vst v7;
	v23 =	vld.idx.msk [tilespmem:v23+s2+$0x0], $0xffff  }
0x16b: {  	v27 =	vld.idx.msk [tilespmem:v27+s2+$0x0], $0xffff;
	v5 =	vadd.f32 v5, v6  }
0x16c: {  	v62 =	vadd.s32 $0x180, v25;
	v30 =	vld [tilespmem:s18+$0x1800]  }
0x16d: {  	v63 =	vadd.s32 $0x180, v16;
	v2 =	vadd.f32 v2, v4;
	v4 =	vld [tilespmem:s18+$0x1820];
	[tilespmem:s18+$0x1430] =	vst v5  }
0x16e: {  	v0 =	vadd.s32 $0x180, v21;
	v5 =	vld.idx.msk [tilespmem:v39+s2+$0x0], $0xffff  }
0x16f: {  	[tilespmem:s18+$0x1400] =	vst v2;
	v2 =	vadd.f32 v8, v23;
	v39 =	vld [tilespmem:s18+$0x1830]  }
0x170: {  	v6 =	vld [tilespmem:s18+$0x1810];
	v3 =	vadd.f32 v3, v27  }
0x171: {  	v8 =	vld.idx.msk [tilespmem:v62+s2+$0x0], $0xffff;
	[tilespmem:s18+$0x1410] =	vst v2  }
0x172: {  	[tilespmem:s18+$0x1420] =	vst v3;
	v3 =	vadd.s32 $0x200, v1;
	v2 =	vld.idx.msk [tilespmem:v63+s2+$0x0], $0xffff  }
0x173: {  	v0 =	vld.idx.msk [tilespmem:v0+s2+$0x0], $0xffff  }
0x174: {  	v61 =	vadd.s32 $0x200, v25;
	v7 =	vld [tilespmem:s18+$0x1C20];
	v5 =	vadd.f32 v39, v5  }
0x175: {  	v59 =	vadd.s32 $0x200, v16;
	v23 =	vld [tilespmem:s18+$0x1C00]  }
0x176: {  	v60 =	vadd.s32 $0x200, v21;
	v63 =	vld [tilespmem:s18+$0x1C30];
	v8 =	vadd.f32 v30, v8;
	[tilespmem:s18+$0x1830] =	vst v5  }
0x177: {  	v3 =	vld.idx.msk [tilespmem:v3+s2+$0x0], $0xffff;
	v2 =	vadd.f32 v6, v2  }
0x178: {  	v27 =	vld [tilespmem:s18+$0x1C10];
	[tilespmem:s18+$0x1800] =	vst v8;
	v0 =	vadd.f32 v4, v0  }
0x179: {  	v61 =	vld.idx.msk [tilespmem:v61+s2+$0x0], $0xffff;
	[tilespmem:s18+$0x1810] =	vst v2  }
0x17a: {  	[tilespmem:s18+$0x1820] =	vst v0;
	v0 =	vadd.s32 $0x280, v1;
	v62 =	vld.idx.msk [tilespmem:v59+s2+$0x0], $0xffff  }
0x17b: {  	v8 =	vld.idx.msk [tilespmem:v60+s2+$0x0], $0xffff  }
0x17c: {  	v58 =	vadd.s32 $0x280, v25;
	v30 =	vld [tilespmem:s18+$0x2000];
	v3 =	vadd.f32 v63, v3  }
0x17d: {  	v56 =	vadd.s32 $0x280, v16;
	v39 =	vld [tilespmem:s18+$0x2020]  }
0x17e: {  	v57 =	vadd.s32 $0x280, v21;
	v6 =	vadd.f32 v23, v61;
	v63 =	vld [tilespmem:s18+$0x2030];
	[tilespmem:s18+$0x1C30] =	vst v3  }
0x17f: {  	v0 =	vld.idx.msk [tilespmem:v0+s2+$0x0], $0xffff;
	v3 =	vadd.f32 v27, v62  }
0x180: {  	v2 =	vld [tilespmem:s18+$0x2010];
	[tilespmem:s18+$0x1C00] =	vst v6;
	v7 =	vadd.f32 v7, v8  }
0x181: {  	v6 =	vld.idx.msk [tilespmem:v58+s2+$0x0], $0xffff;
	[tilespmem:s18+$0x1C10] =	vst v3  }
0x182: {  	v60 =	vadd.s32 $0x300, v1;
	[tilespmem:s18+$0x1C20] =	vst v7;
	v8 =	vld.idx.msk [tilespmem:v56+s2+$0x0], $0xffff  }
0x183: {  	v27 =	vld.idx.msk [tilespmem:v57+s2+$0x0], $0xffff  }
0x184: {  	v55 =	vadd.s32 $0x300, v25;
	v5 =	vld [tilespmem:s18+$0x2400];
	v0 =	vadd.f32 v63, v0  }
0x185: {  	v54 =	vadd.s32 $0x300, v16;
	v23 =	vld [tilespmem:s18+$0x2410]  }
0x186: {  	v53 =	vadd.s32 $0x300, v21;
	v61 =	vld [tilespmem:s18+$0x2430];
	v6 =	vadd.f32 v30, v6;
	[tilespmem:s18+$0x2030] =	vst v0  }
0x187: {  	v0 =	vld.idx.msk [tilespmem:v60+s2+$0x0], $0xffff;
	v2 =	vadd.f32 v2, v8  }
0x188: {  	v3 =	vld [tilespmem:s18+$0x2420];
	[tilespmem:s18+$0x2000] =	vst v6;
	v8 =	vadd.f32 v39, v27  }
0x189: {  	v62 =	vld.idx.msk [tilespmem:v55+s2+$0x0], $0xffff;
	[tilespmem:s18+$0x2010] =	vst v2  }
0x18a: {  	[tilespmem:s18+$0x2020] =	vst v8;
	v8 =	vadd.s32 $0x380, v1;
	v2 =	vld.idx.msk [tilespmem:v54+s2+$0x0], $0xffff  }
0x18b: {  	v63 =	vld.idx.msk [tilespmem:v53+s2+$0x0], $0xffff  }
0x18c: {  	v52 =	vadd.s32 $0x380, v25;
	v4 =	vld [tilespmem:s18+$0x2810];
	v0 =	vadd.f32 v61, v0  }
0x18d: {  	v51 =	vadd.s32 $0x380, v16;
	v58 =	vld [tilespmem:s18+$0x2830]  }
0x18e: {  	v50 =	vadd.s32 $0x380, v21;
	v56 =	vld [tilespmem:s18+$0x2800];
	v5 =	vadd.f32 v5, v62;
	[tilespmem:s18+$0x2430] =	vst v0  }
0x18f: {  	v0 =	vld.idx.msk [tilespmem:v8+s2+$0x0], $0xffff;
	v2 =	vadd.f32 v23, v2  }
0x190: {  	v30 =	vld [tilespmem:s18+$0x2820];
	[tilespmem:s18+$0x2400] =	vst v5;
	v3 =	vadd.f32 v3, v63  }
0x191: {  	v8 =	vld.idx.msk [tilespmem:v52+s2+$0x0], $0xffff;
	[tilespmem:s18+$0x2410] =	vst v2  }
0x192: {  	[tilespmem:s18+$0x2420] =	vst v3;
	v3 =	vadd.s32 $0x400, v1;
	v23 =	vld.idx.msk [tilespmem:v51+s2+$0x0], $0xffff  }
0x193: {  	v59 =	vld.idx.msk [tilespmem:v50+s2+$0x0], $0xffff  }
0x194: {  	v49 =	vadd.s32 $0x400, v25;
	v57 =	vld [tilespmem:s18+$0x3000];
	v0 =	vadd.f32 v58, v0  }
0x195: {  	v27 =	vld [tilespmem:s18+$0x2C00]  }
0x196: {  	v47 =	vadd.s32 $0x400, v16;
	v63 =	vld [tilespmem:s18+$0x2C30];
	v8 =	vadd.f32 v56, v8;
	[tilespmem:s18+$0x2830] =	vst v0  }
0x197: {  	v48 =	vadd.s32 $0x400, v21;
	v0 =	vld.idx.msk [tilespmem:v3+s2+$0x0], $0xffff;
	v3 =	vadd.f32 v4, v23  }
0x198: {  	v55 =	vld [tilespmem:s18+$0x2C20];
	[tilespmem:s18+$0x2800] =	vst v8;
	v23 =	vadd.f32 v30, v59  }
0x199: {  	v8 =	vld.idx.msk [tilespmem:v49+s2+$0x0], $0xffff;
	[tilespmem:s18+$0x2810] =	vst v3  }
0x19a: {  	v53 =	vld [tilespmem:s18+$0x2C10];
	[tilespmem:s18+$0x2820] =	vst v23;
	v23 =	vadd.s32 $0x480, v1  }
0x19b: {  	v30 =	vld.idx.msk [tilespmem:v47+s2+$0x0], $0xffff  }
0x19c: {  	v49 =	vld.idx.msk [tilespmem:v48+s2+$0x0], $0xffff;
	v0 =	vadd.f32 v63, v0  }
0x19d: {  	[tilespmem:$0x1FF40] =	vst v46;
	v46 =	vadd.s32 $0x480, v25;
	v60 =	vld [tilespmem:s18+$0x3020]  }
0x19e: {  	v44 =	vadd.s32 $0x480, v16;
	v39 =	vld [tilespmem:s18+$0x3C00];
	v8 =	vadd.f32 v27, v8;
	[tilespmem:s18+$0x2C30] =	vst v0  }
0x19f: {  	v45 =	vadd.s32 $0x480, v21;
	v0 =	vld.idx.msk [tilespmem:v23+s2+$0x0], $0xffff  }
0x1a0: {  	[tilespmem:s18+$0x2C00] =	vst v8;
	v8 =	vadd.f32 v53, v30;
	v23 =	vld [tilespmem:s18+$0x3030]  }
0x1a1: {  	v2 =	vld [tilespmem:s18+$0x3010];
	v6 =	vadd.f32 v55, v49  }
0x1a2: {  	v30 =	vld.idx.msk [tilespmem:v46+s2+$0x0], $0xffff;
	[tilespmem:s18+$0x2C10] =	vst v8  }
0x1a3: {  	v53 =	vadd.s32 $0x500, v1;
	[tilespmem:s18+$0x2C20] =	vst v6;
	v8 =	vld.idx.msk [tilespmem:v44+s2+$0x0], $0xffff  }
0x1a4: {  	v54 =	vld.idx.msk [tilespmem:v45+s2+$0x0], $0xffff  }
0x1a5: {  	v61 =	vld [tilespmem:s18+$0x3400];
	v0 =	vadd.f32 v23, v0  }
0x1a6: {  	v43 =	vadd.s32 $0x500, v25;
	v62 =	vld [tilespmem:s18+$0x3410]  }
0x1a7: {  	v42 =	vadd.s32 $0x500, v16;
	v56 =	vld [tilespmem:s18+$0x3430];
	v7 =	vadd.f32 v57, v30;
	[tilespmem:s18+$0x3030] =	vst v0  }
0x1a8: {  	v41 =	vadd.s32 $0x500, v21;
	v0 =	vld.idx.msk [tilespmem:v53+s2+$0x0], $0xffff;
	v2 =	vadd.f32 v2, v8  }
0x1a9: {  	v52 =	vld [tilespmem:s18+$0x3810];
	[tilespmem:s18+$0x3000] =	vst v7;
	v8 =	vadd.f32 v60, v54  }
0x1aa: {  	v3 =	vld [tilespmem:s18+$0x3420];
	[tilespmem:s18+$0x3010] =	vst v2  }
0x1ab: {  	v7 =	vld.idx.msk [tilespmem:v43+s2+$0x0], $0xffff;
	[tilespmem:s18+$0x3020] =	vst v8;
	v8 =	vadd.s32 $0x580, v1  }
0x1ac: {  	v42 =	vld.idx.msk [tilespmem:v42+s2+$0x0], $0xffff  }
0x1ad: {  	v57 =	vld.idx.msk [tilespmem:v41+s2+$0x0], $0xffff;
	v0 =	vadd.f32 v56, v0  }
0x1ae: {  	v22 =	vadd.s32 $0x580, v25;
	v50 =	vld [tilespmem:s18+$0x4810]  }
0x1af: {  	v36 =	vadd.s32 $0x580, v16;
	v51 =	vld [tilespmem:s18+$0x3C30];
	[tilespmem:s18+$0x3430] =	vst v0  }
0x1b0: {  	v37 =	vadd.s32 $0x580, v21;
	v5 =	vadd.f32 v61, v7;
	v0 =	vld.idx.msk [tilespmem:v8+s2+$0x0], $0xffff  }
0x1b1: {  	v61 =	vadd.f32 v62, v42;
	v62 =	vld [tilespmem:s18+$0x3830]  }
0x1b2: {  	v27 =	vld [tilespmem:s18+$0x3820];
	[tilespmem:s18+$0x3400] =	vst v5;
	v3 =	vadd.f32 v3, v57  }
0x1b3: {  	v8 =	vld.idx.msk [tilespmem:v22+s2+$0x0], $0xffff;
	[tilespmem:s18+$0x3410] =	vst v61  }
0x1b4: {  	[tilespmem:s18+$0x3420] =	vst v3;
	v3 =	vadd.s32 $0x600, v1;
	v22 =	vld.idx.msk [tilespmem:v36+s2+$0x0], $0xffff  }
0x1b5: {  	v48 =	vld.idx.msk [tilespmem:v37+s2+$0x0], $0xffff  }
0x1b6: {  	v58 =	vld [tilespmem:s18+$0x4020];
	v7 =	vadd.f32 v62, v0  }
0x1b7: {  	v47 =	vld [tilespmem:s18+$0x3800]  }
0x1b8: {  	v59 =	vld [tilespmem:s18+$0x4400];
	[tilespmem:s18+$0x3830] =	vst v7  }
0x1b9: {  	v3 =	vld.idx.msk [tilespmem:v3+s2+$0x0], $0xffff  }
0x1ba: {  	v35 =	vadd.s32 $0x600, v25;
	v63 =	vld [tilespmem:s18+$0x4420];
	v4 =	vadd.f32 v52, v22;
	v22 =	vadd.f32 v27, v48  }
0x1bb: {  	v55 =	vld [tilespmem:s18+$0x3C10]  }
0x1bc: {  	v49 =	vld [tilespmem:s18+$0x4800];
	v8 =	vadd.f32 v47, v8;
	[tilespmem:s18+$0x3820] =	vst v22;
	v22 =	vadd.s32 $0x680, v1  }
0x1bd: {  	v23 =	vld [tilespmem:s18+$0x3C20]  }
0x1be: {  	v33 =	vadd.s32 $0x600, v16;
	v30 =	vld [tilespmem:s18+$0x4000];
	[tilespmem:s18+$0x3800] =	vst v8;
	v3 =	vadd.f32 v51, v3  }
0x1bf: {  	v8 =	vld.idx.msk [tilespmem:v35+s2+$0x0], $0xffff;
	[tilespmem:s18+$0x3810] =	vst v4  }
0x1c0: {  	v4 =	vld.idx.msk [tilespmem:v13+s2+$0x0], $0xffff;
	[tilespmem:s18+$0x3C30] =	vst v3  }
0x1c1: {  	v3 =	vld.idx.msk [tilespmem:v22+s2+$0x0], $0xffff  }
0x1c2: {  	v22 =	vld [tilespmem:$0x1FF40]  }
0x1c3: {  	v34 =	vadd.s32 $0x600, v21;
	v27 =	vld.idx.msk [tilespmem:v33+s2+$0x0], $0xffff  }
0x1c4: {  	v60 =	vld [tilespmem:s18+$0x4410]  }
0x1c5: {  	v53 =	vld [tilespmem:s18+$0x4C10]  }
0x1c6: {  	v17 =	vadd.s32 $0x680, v16;
	v2 =	vld [tilespmem:s18+$0x4010];
	v8 =	vadd.f32 v39, v8  }
0x1c7: {  	v57 =	vld [tilespmem:s18+$0x4430];
	v4 =	vadd.f32 v22, v4  }
0x1c8: {  	v29 =	vadd.s32 $0x680, v25;
	v34 =	vld.idx.msk [tilespmem:v34+s2+$0x0], $0xffff;
	[tilespmem:s18+$0x3C00] =	vst v8;
	v8 =	vadd.f32 v55, v27  }
0x1c9: {  	v0 =	vld [tilespmem:s18+$0x4820];
	[tilespmem:s17+$0x4C10] =	vst v4  }
0x1ca: {  	v52 =	vld.idx.msk [tilespmem:v15+s2+$0x0], $0xffff;
	[tilespmem:s18+$0x3C10] =	vst v8  }
0x1cb: {  	v18 =	vadd.s32 $0x680, v21;
	v55 =	vld.idx.msk [tilespmem:v17+s2+$0x0], $0xffff  }
0x1cc: {  	v33 =	vld [tilespmem:s18+$0x4C00]  }
0x1cd: {  	v27 =	vld.idx.msk [tilespmem:v29+s2+$0x0], $0xffff;
	v23 =	vadd.f32 v23, v34  }
0x1ce: {  	v56 =	vld.idx.msk [tilespmem:v9+s2+$0x0], $0xffff  }
0x1cf: {  	[tilespmem:s18+$0x3C20] =	vst v23;
	v22 =	vld [tilespmem:s18+$0x4030]  }
0x1d0: {  	v17 =	vld.idx.msk [tilespmem:v18+s2+$0x0], $0xffff;
	v2 =	vadd.f32 v2, v55  }
0x1d1: {  	v18 =	vld.idx.msk [tilespmem:v12+s2+$0x0], $0xffff  }
0x1d2: {  	v40 =	vadd.s32 $0x800, v16;
	v8 =	vadd.s32 $0x700, v1;
	[tilespmem:s18+$0x4010] =	vst v2;
	v2 =	vld [tilespmem:$0x1FF60]  }
0x1d3: {  	v26 =	vadd.s32 $0x700, v25;
	v13 =	vmov v40;
	v40 =	vld [tilespmem:s18+$0x4C20];
	v54 =	vadd.f32 v24, v52  }
0x1d4: {  	v23 =	vld [tilespmem:$0x1FF80];
	v3 =	vadd.f32 v22, v3  }
0x1d5: {  	[tilespmem:s17+$0x4C20] =	vst v54;
	v22 =	vadd.f32 v30, v27;
	v27 =	vld [tilespmem:s18+$0x5000]  }
0x1d6: {  	[tilespmem:s18+$0x4030] =	vst v3;
	v3 =	vld.idx.msk [tilespmem:v14+s2+$0x0], $0xffff  }
0x1d7: {  	[tilespmem:s18+$0x4000] =	vst v22;
	v8 =	vld.idx.msk [tilespmem:v8+s2+$0x0], $0xffff;
	v2 =	vadd.f32 v2, v56  }
0x1d8: {  	v22 =	vld.idx.msk [tilespmem:v26+s2+$0x0], $0xffff  }
0x1d9: {  	[tilespmem:s17+$0x5000] =	vst v2;
	v2 =	vld [tilespmem:$0x1FFA0];
	_ =	sdelay $0x3  }
0x1da: {  	v18 =	vadd.f32 v23, v18;
	v23 =	vld [tilespmem:$0x1FF90]  }
0x1db: {  	v2 =	vadd.f32 v2, v3;
	v3 =	vadd.f32 v57, v8  }
0x1dc: {  	v17 =	vadd.f32 v58, v17  }
0x1dd: {  	[tilespmem:s18+$0x4430] =	vst v3;
	v3 =	vld [tilespmem:$0x1FFB0]  }
0x1de: {  	v58 =	vld [tilespmem:$0x1FF70];
	[tilespmem:s18+$0x4020] =	vst v17;
	v17 =	vadd.s32 $0x780, v1;
	_ =	sdelay $0x2  }
0x1df: {  	v30 =	vld [tilespmem:s18+$0x5020]  }
0x1e0: {  	v20 =	vadd.s32 $0x780, v25;
	v23 =	vld.idx.msk [tilespmem:v23+s2+$0x0], $0xffff  }
0x1e1: {  	[tilespmem:s17+$0x5020] =	vst v2;
	v2 =	vadd.f32 v59, v22;
	v59 =	vld.idx.msk [tilespmem:v17+s2+$0x0], $0xffff  }
0x1e2: {  	v17 =	vld [tilespmem:$0x1FFD0]  }
0x1e3: {  	v3 =	vld.idx.msk [tilespmem:v3+s2+$0x0], $0xffff  }
0x1e4: {  	v4 =	vld.idx.msk [tilespmem:v58+s2+$0x0], $0xffff;
	[tilespmem:s18+$0x4400] =	vst v2  }
0x1e5: {  	v61 =	vld.idx.msk [tilespmem:v20+s2+$0x0], $0xffff  }
0x1e6: {  	v8 =	vld [tilespmem:$0x1FFC0]  }
0x1e7: {  	v28 =	vadd.s32 $0x880, v21;
	v45 =	vld [tilespmem:$0x1FF50]  }
0x1e8: {  	v14 =	vmov v28;
	v28 =	vld [tilespmem:s18+$0x5010];
	v3 =	vadd.f32 v17, v3  }
0x1e9: {  	[tilespmem:s17+$0x5010] =	vst v18;
	v5 =	vadd.f32 v63, v23;
	v23 =	vld [tilespmem:s18+$0x5400];
	v2 =	vadd.f32 v60, v4  }
0x1ea: {  	v19 =	vadd.s32 $0x780, v21;
	v63 =	vld [tilespmem:$0x1FFE0];
	[tilespmem:s17+$0x5400] =	vst v3;
	v3 =	vadd.f32 v49, v61  }
0x1eb: {  	v60 =	vld [tilespmem:s18+$0x4830];
	[tilespmem:s18+$0x4410] =	vst v2  }
0x1ec: {  	[tilespmem:s18+$0x4800] =	vst v3;
	v3 =	vld [tilespmem:$0x1FFF0]  }
0x1ed: {  	v2 =	vld.idx.msk [tilespmem:v10+s2+$0x0], $0xffff  }
0x1ee: {  	s19 =	sadd.s32 $0x4, s19;
	v32 =	vadd.s32 $0x880, v16;
	v16 =	vadd.s32 $0x900, v16;
	v62 =	vadd.s32 $0x800, v1;
	[tilespmem:s18+$0x4420] =	vst v5;
	v8 =	vld.idx.msk [tilespmem:v8+s2+$0x0], $0xffff  }
0x1ef: {  	p0 =	slt.u32 s19, $0x1C;
	v10 =	vmov v16;
	v16 =	vld.idx.msk [tilespmem:v19+s2+$0x0], $0xffff  }
.Ltmp0:
0x1f0: {  	v38 =	vadd.s32 $0x800, v21;
	v21 =	vadd.s32 $0x900, v21;
	v18 =	vld.idx.msk [tilespmem:v11+s2+$0x0], $0xffff;
	v4 =	vadd.f32 v60, v59;
	(pc) =	sbr.rel @p0 .LBB2_2-.Ltmp0, $4  }
0x1f1: {  	v11 =	vmov v21;
	v21 =	vld [tilespmem:s18+$0x4C30]  }
0x1f2: {  	v31 =	vadd.s32 $0x880, v25;
	v25 =	vadd.s32 $0x900, v25;
	v19 =	vld [tilespmem:s18+$0x5410];
	[tilespmem:s18+$0x4830] =	vst v4;
	v2 =	vadd.f32 v63, v2  }
0x1f3: {  	v46 =	vmovc v53;
	v15 =	vmov v38;
	v9 =	vmov v31;
	v29 =	vmov v25;
	v20 =	vld.idx.msk [tilespmem:v62+s2+$0x0], $0xffff  }
0x1f4: {  	s20 =	sadd.s32 $0x200, s20;
	v12 =	vmov v32;
	v22 =	vadd.f32 v50, v8;
	v0 =	vadd.f32 v0, v16;
	[tilespmem:s17+$0x5410] =	vst v2;
	v17 =	vld.idx.msk [tilespmem:v3+s2+$0x0], $0xffff  }
0x1f5: {  	_ =	sdelay $0x2  }
0x1f6: {  	[tilespmem:s18+$0x4810] =	vst v22  }
0x1f7: {  	[tilespmem:s18+$0x4820] =	vst v0;
	v49 =	vld.idx.msk [tilespmem:v13+s2+$0x0], $0xffff  }
0x1f8: {  	v3 =	vadd.s32 $0x880, v1;
	v5 =	vld.idx.msk [tilespmem:v15+s2+$0x0], $0xffff;
	_ =	sdelay $0x1  }
0x1f9: {  	v4 =	vadd.f32 v21, v20  }
0x1fa: {  	v50 =	vadd.f32 v33, v17  }
0x1fb: {  	v6 =	vld [tilespmem:s18+$0x5030];
	[tilespmem:s18+$0x4C30] =	vst v4;
	v0 =	vadd.f32 v46, v49  }
0x1fc: {  	v3 =	vld.idx.msk [tilespmem:v3+s2+$0x0], $0xffff;
	[tilespmem:s18+$0x4C00] =	vst v50;
	v51 =	vadd.f32 v40, v5  }
0x1fd: {  	v52 =	vld.idx.msk [tilespmem:v9+s2+$0x0], $0xffff;
	[tilespmem:s18+$0x4C10] =	vst v0  }
0x1fe: {  	[tilespmem:s18+$0x4C20] =	vst v51;
	v54 =	vld.idx.msk [tilespmem:v12+s2+$0x0], $0xffff  }
0x1ff: {  	v53 =	vadd.s32 $0x900, v1;
	v55 =	vld.idx.msk [tilespmem:v14+s2+$0x0], $0xffff;
	_ =	sdelay $0x1  }
0x200: {  	v3 =	vadd.f32 v6, v3  }
0x201: {  	v2 =	vld [tilespmem:s18+$0x5420];
	v0 =	vadd.f32 v27, v52  }
0x202: {  	v57 =	vld [tilespmem:s18+$0x5430];
	[tilespmem:s18+$0x5030] =	vst v3;
	v56 =	vadd.f32 v28, v54  }
0x203: {  	v1 =	vld.idx.msk [tilespmem:v53+s2+$0x0], $0xffff;
	[tilespmem:s18+$0x5000] =	vst v0;
	v58 =	vadd.f32 v30, v55  }
0x204: {  	v59 =	vld.idx.msk [tilespmem:v29+s2+$0x0], $0xffff;
	[tilespmem:s18+$0x5010] =	vst v56  }
0x205: {  	[tilespmem:s18+$0x5020] =	vst v58;
	v60 =	vld.idx.msk [tilespmem:v10+s2+$0x0], $0xffff  }
0x206: {  	v61 =	vld.idx.msk [tilespmem:v11+s2+$0x0], $0xffff  }
0x207: {  	v62 =	vadd.f32 v45, v18  }
0x208: {  	v1 =	vadd.f32 v57, v1  }
0x209: {  	[tilespmem:s17+$0x5420] =	vst v62;
	v3 =	vadd.f32 v23, v59  }
0x20a: {  	[tilespmem:s18+$0x5430] =	vst v1;
	v0 =	vadd.f32 v19, v60  }
0x20b: {  	s16 =	sadd.s32 $0x1, s16;
	[tilespmem:s18+$0x5400] =	vst v3;
	v63 =	vadd.f32 v2, v61  }
0x20c: {  	p0 =	sne.s32 s16, s7;
	[tilespmem:s18+$0x5410] =	vst v0  }
.Ltmp1:
0x20d: {  	[tilespmem:s18+$0x5420] =	vst v63;
	(pc) =	sbr.rel @p0 .LBB2_1-.Ltmp1, $4  }
0x20e: {  	[hbm4b:s6+s9] =	stream.strided.scatter [tilespmem:s11], [sflag:$0x4], $0x4C00, s10, s9, $0x38;
	[tilespmem:$0x5C00] =	vst v63  }
0x20f: {  	_ =	swait.ge [sflag:s15], $0x4C00  }
0x210: {  	[sflag:s15] =	ssyncset.done $0x0  }
0x211: {  	[sflag:s15] =	ssyncadd.s32 $0xFFFFB400  }
0x212: {  	_ =	sfence.sel $0x180000  }
0x213: {  	[bflag:$0x0] =	sbarrier.arrive $0xFFFF  }
0x214: {  	p0 =	sne.s32 s1, $0x0;
	_ =	strace $0x90000047  }
0x215: {  	s0 =	sadd.s32 @!p0 $0x100000, s0;
	[bflag:$0x2] =	sbarrier.arrive $0xFFFF  }
0x216: {  	[sflag:s0] =	ssyncadd.tile.s32 @!p0 $0x1;
	_ =	shalt  }
.Lfunc_end2:
_tile_overlayer_lowered:
.L_overlay_start_2:
0x217: {  	(tag) =	ssettag $0x2  }
0x218: {  	s0 =	rddreg [dreg:$0x0];
	s2 =	stileid.u32  }
0x219: {  	s1 =	rddreg [dreg:$0x1];
	p0 =	sne.s32 s2, $0x0  }
0x21a: {  	s3 =	rddreg [dreg:$0x2];
	[bflag:$0x3] =	sbarrier.arrive $0xFFFF;
	s2 =	simm.s32 @!p0 $0x1C04  }
0x21b: {  	[timem:s3], [sflag:s2] =	dma.local @!p0 [hbm:s0], s1  }
0x21c: {  	s0 =	simm.s32 @!p0 $0x4  }
0x21d: {  	_ =	swait.ge @!p0 [sflag:s0], s1  }
0x21e: {  	s1 =	ssub.s32 @!p0 $0x0, s1;
	[sflag:s0] =	ssyncset.done @!p0 $0x0  }
0x21f: {  	[sflag:s0] =	ssyncadd.s32 @!p0 s1  }
0x220: {  	[bflag:$0x3] =	sbarrier.arrive $0xFFFF  }
0x221: {  	_ =	shalt  }

</sc_bundles>
